<compile_context>
chip_gen: v7x
topology: tpu7x:2x2x1
jax: 0.10.2.dev20260603
libtpu: 0.0.44.dev20260713+nightly
codegen_flags: <defaults>
</compile_context>

<pallas_src>
import functools

import jax
import jax.numpy as jnp
from jax import lax
from jax.experimental import pallas as pl
from jax.experimental.pallas import tpu as pltpu
from jax.experimental.pallas import tpu_sc as plsc

DIM = 1024
INTER = 512
E = 8
T = 2048
TILE_R = 256
NR = 4096 + E * TILE_R
NT_R = NR // TILE_R
TILE_S = 256
NW = 32
TPW = T // NW

_DN = (((1,), (1,)), ((), ()))


def _plan_kernel(x_ref, wg_ref, bias_ref, pos_ref, w_ref, te_ref,
                 xpk_ref):
    xf = x_ref[...]
    xb = xf.astype(jnp.bfloat16)

    scores = lax.dot_general(xb, wg_ref[...].astype(jnp.bfloat16), _DN,
                             preferred_element_type=jnp.float32)
    s = jnp.sqrt(jax.nn.softplus(scores))
    sb = s + bias_ref[0:1, :]

    eidx = lax.broadcasted_iota(jnp.int32, (T, E), 1)
    m1 = jnp.max(sb, axis=1, keepdims=True)
    a1 = jnp.min(jnp.where(sb == m1, eidx, E), axis=1, keepdims=True)
    sb2 = jnp.where(eidx == a1, jnp.float32(-jnp.inf), sb)
    m2 = jnp.max(sb2, axis=1, keepdims=True)
    a2 = jnp.min(jnp.where(sb2 == m2, eidx, E), axis=1, keepdims=True)

    oh1 = (eidx == a1).astype(jnp.float32)
    oh2 = (eidx == a2).astype(jnp.float32)
    w_1 = jnp.sum(s * oh1, axis=1, keepdims=True)
    w_2 = jnp.sum(s * oh2, axis=1, keepdims=True)
    denom = w_1 + w_2
    w_ref[...] = jnp.concatenate([w_1 / denom, w_2 / denom], axis=1)
    xpk_ref[...] = pltpu.bitcast(xb.reshape(2 * T, DIM // 2), jnp.int32)

    oh = oh1 + oh2
    c = oh
    rows = lax.broadcasted_iota(jnp.int32, (T, E), 0)
    sft = 1
    while sft < T:
        c = c + jnp.where(rows >= sft, jnp.roll(c, sft, axis=0), 0.0)
        sft *= 2
    excl = c - oh
    counts = c[T - 1:T, :]
    nt = jnp.floor((counts + (TILE_R - 1)) * (1.0 / TILE_R))
    lanes = lax.broadcasted_iota(jnp.int32, (1, E), 1)
    acc = nt
    for lsft in (1, 2, 4):
        acc = acc + jnp.where(lanes >= lsft, jnp.roll(acc, lsft, axis=1), 0.0)
    tb = acc - nt
    base_rows = tb * TILE_R
    dest = base_rows + excl
    pos0 = jnp.sum(dest * oh1, axis=1, keepdims=True)
    pos1 = jnp.sum(dest * oh2, axis=1, keepdims=True)
    pos_ref[...] = jnp.concatenate([pos0, pos1], axis=1).astype(jnp.int32)

    tbT = jnp.transpose(tb, (1, 0)).astype(jnp.int32)
    ntT = jnp.transpose(nt, (1, 0)).astype(jnp.int32)
    jidx = lax.broadcasted_iota(jnp.int32, (E, 64), 1)
    esub = lax.broadcasted_iota(jnp.int32, (E, 64), 0)
    ge = jnp.where((jidx >= tbT) & (esub >= 1), 1.0, 0.0)
    te = jnp.sum(ge, axis=0, keepdims=True)
    used = jnp.sum(jnp.where((jidx >= tbT) & (jidx < tbT + ntT), 1.0, 0.0),
                   axis=0, keepdims=True)
    te2 = jnp.concatenate([te, used], axis=0)
    te_ref[...] = jnp.broadcast_to(te2.reshape(1, 2, 64),
                                   (4, 2, 64)).reshape(8, 64).astype(jnp.int32)


@functools.lru_cache(maxsize=None)
def _sc_mesh():
    return plsc.VectorSubcoreMesh(core_axis_name="c", subcore_axis_name="s",
                                  num_cores=2, num_subcores=16)


@functools.lru_cache(maxsize=None)
def _make_dispatch_sc():
    @functools.partial(
        pl.kernel,
        out_type=jax.ShapeDtypeStruct((NR, DIM // 2), jnp.int32),
        mesh=_sc_mesh(),
        scratch_types=[
            pltpu.VMEM((TPW,), jnp.int32),
            pltpu.VMEM((TPW,), jnp.int32),
            pltpu.VMEM((TPW, DIM // 2), jnp.int32),
            pltpu.SemaphoreType.DMA,
            pltpu.SemaphoreType.DMA,
            pltpu.SemaphoreType.DMA,
        ],
    )
    def _dispatch_sc(x_hbm, p0_hbm, p1_hbm, xg_hbm, i0_v, i1_v, rows_v,
                     sem, sem1, sem2):
        wid = lax.axis_index("s") * 2 + lax.axis_index("c")
        base = wid * TPW
        a0 = pltpu.async_copy(p0_hbm.at[pl.ds(base, TPW)], i0_v, sem)
        a1 = pltpu.async_copy(p1_hbm.at[pl.ds(base, TPW)], i1_v, sem1)
        a2 = pltpu.async_copy(x_hbm.at[pl.ds(base, TPW)], rows_v, sem2)
        a0.wait()
        a1.wait()
        a2.wait()
        c0 = pltpu.async_copy(rows_v, xg_hbm.at[i0_v], sem)
        c1 = pltpu.async_copy(rows_v, xg_hbm.at[i1_v], sem1)
        c0.wait()
        c1.wait()

    return _dispatch_sc


def _routed_kernel(te_ref, xg_ref, w1_ref, w3_ref, w2_ref, yr_ref):
    @pl.when(te_ref[1, pl.program_id(0)] == 1)
    def _():
        xb = pltpu.bitcast(xg_ref[...], jnp.bfloat16)
        xb = xb.reshape(TILE_R, DIM).astype(jnp.float32)
        g = lax.dot_general(xb, w1_ref[0], _DN,
                            preferred_element_type=jnp.float32)
        u = lax.dot_general(xb, w3_ref[0], _DN,
                            preferred_element_type=jnp.float32)
        h = (g * jax.nn.sigmoid(g)) * u
        y = lax.dot_general(h, w2_ref[0], _DN,
                            preferred_element_type=jnp.float32)
        yr_ref[...] = pltpu.bitcast(
            y.astype(jnp.bfloat16).reshape(2 * TILE_R, DIM // 2), jnp.int32)


def _shared_kernel(x_ref, w1_ref, w3_ref, w2_ref, z_ref):
    xb = x_ref[...]
    g = lax.dot_general(xb, w1_ref[...], _DN, preferred_element_type=jnp.float32)
    u = lax.dot_general(xb, w3_ref[...], _DN, preferred_element_type=jnp.float32)
    h = (g * jax.nn.sigmoid(g)) * u
    z_ref[...] = lax.dot_general(h, w2_ref[...], _DN,
                                 preferred_element_type=jnp.float32)


def _combine_kernel(yg0_ref, yg1_ref, wc_ref, z_ref, o_ref):
    w = wc_ref[...]
    y0 = pltpu.bitcast(yg0_ref[...], jnp.bfloat16)
    y0 = y0.reshape(TILE_S, DIM).astype(jnp.float32)
    y1 = pltpu.bitcast(yg1_ref[...], jnp.bfloat16)
    y1 = y1.reshape(TILE_S, DIM).astype(jnp.float32)
    o_ref[...] = w[:, 0:1] * y0 + w[:, 1:2] * y1 + z_ref[...]


@functools.lru_cache(maxsize=None)
def _make_gather_sc():
    @functools.partial(
        pl.kernel,
        out_type=jax.ShapeDtypeStruct((2 * T, DIM // 2), jnp.int32),
        mesh=_sc_mesh(),
        scratch_types=[
            pltpu.VMEM((TPW,), jnp.int32),
            pltpu.VMEM((TPW, DIM // 2), jnp.int32),
            pltpu.SemaphoreType.DMA,
        ],
    )
    def _gather_sc(yr_hbm, p0_hbm, p1_hbm, yg_hbm, idx_v, rows_v, sem):
        wid = lax.axis_index("s") * 2 + lax.axis_index("c")
        base = wid * TPW
        pltpu.sync_copy(p0_hbm.at[pl.ds(base, TPW)], idx_v)
        pltpu.async_copy(yr_hbm.at[idx_v], rows_v, sem).wait()
        pltpu.sync_copy(rows_v, yg_hbm.at[pl.ds(base, TPW)])
        pltpu.sync_copy(p1_hbm.at[pl.ds(base, TPW)], idx_v)
        pltpu.async_copy(yr_hbm.at[idx_v], rows_v, sem).wait()
        pltpu.sync_copy(rows_v, yg_hbm.at[pl.ds(T + base, TPW)])

    return _gather_sc


def _plan_call(xf, Wg, bias2d):
    return pl.pallas_call(
        _plan_kernel,
        in_specs=[pl.BlockSpec(xf.shape, lambda: (0, 0)),
                  pl.BlockSpec(Wg.shape, lambda: (0, 0)),
                  pl.BlockSpec(bias2d.shape, lambda: (0, 0))],
        out_specs=[pl.BlockSpec((T, 2), lambda: (0, 0)),
                   pl.BlockSpec((T, 2), lambda: (0, 0)),
                   pl.BlockSpec((8, 64), lambda: (0, 0)),
                   pl.BlockSpec((T, DIM // 2), lambda: (0, 0))],
        out_shape=[jax.ShapeDtypeStruct((T, 2), jnp.int32),
                   jax.ShapeDtypeStruct((T, 2), jnp.float32),
                   jax.ShapeDtypeStruct((8, 64), jnp.int32),
                   jax.ShapeDtypeStruct((T, DIM // 2), jnp.int32)],
    )(xf, Wg, bias2d)


def _routed_call(te, xg, W1c, W3c, W2c):
    grid_spec = pltpu.PrefetchScalarGridSpec(
        num_scalar_prefetch=1,
        grid=(NT_R,),
        in_specs=[
            pl.BlockSpec((TILE_R, DIM // 2), lambda j, te_r: (j, 0)),
            pl.BlockSpec((1, INTER, DIM), lambda j, te_r: (te_r[0, j], 0, 0)),
            pl.BlockSpec((1, INTER, DIM), lambda j, te_r: (te_r[0, j], 0, 0)),
            pl.BlockSpec((1, DIM, INTER), lambda j, te_r: (te_r[0, j], 0, 0)),
        ],
        out_specs=pl.BlockSpec((TILE_R, DIM // 2), lambda j, te_r: (j, 0)),
    )
    return pl.pallas_call(
        _routed_kernel,
        grid_spec=grid_spec,
        out_shape=jax.ShapeDtypeStruct((NR, DIM // 2), jnp.int32),
    )(te, xg, W1c, W3c, W2c)


def _shared_call(xf, W1s, W3s, W2s):
    return pl.pallas_call(
        _shared_kernel,
        grid=(T // TILE_S,),
        in_specs=[pl.BlockSpec((TILE_S, DIM), lambda i: (i, 0)),
                  pl.BlockSpec(W1s.shape, lambda i: (0, 0)),
                  pl.BlockSpec(W3s.shape, lambda i: (0, 0)),
                  pl.BlockSpec(W2s.shape, lambda i: (0, 0))],
        out_specs=pl.BlockSpec((TILE_S, DIM), lambda i: (i, 0)),
        out_shape=jax.ShapeDtypeStruct((T, DIM), jnp.float32),
        compiler_params=pltpu.CompilerParams(
            dimension_semantics=("arbitrary",)),
    )(xf, W1s, W3s, W2s)


def _combine_call(yg, wcomb, z):
    nt = T // TILE_S
    return pl.pallas_call(
        _combine_kernel,
        grid=(nt,),
        in_specs=[pl.BlockSpec((TILE_S, DIM // 2), lambda i: (i, 0)),
                  pl.BlockSpec((TILE_S, DIM // 2), lambda i: (i + nt, 0)),
                  pl.BlockSpec((TILE_S, 2), lambda i: (i, 0)),
                  pl.BlockSpec((TILE_S, DIM), lambda i: (i, 0))],
        out_specs=pl.BlockSpec((TILE_S, DIM), lambda i: (i, 0)),
        out_shape=jax.ShapeDtypeStruct((T, DIM), jnp.float32),
        compiler_params=pltpu.CompilerParams(
            dimension_semantics=("arbitrary",)),
    )(yg, yg, wcomb, z)


def kernel(x, Wg, bias_g, W1, W2, W3, W1s, W2s, W3s):
    shape = x.shape
    xf = x.reshape(-1, shape[-1]).astype(jnp.float32)
    bias2d = jnp.broadcast_to(bias_g.astype(jnp.float32), (8, E))

    pos, wcomb, te2d, xpk = _plan_call(xf, Wg.astype(jnp.float32), bias2d)
    pos0 = pos[:, 0]
    pos1 = pos[:, 1]
    te = te2d[0:2, :NT_R]

    f32 = jnp.float32
    xg = _make_dispatch_sc()(xpk, pos0, pos1)
    z = _shared_call(xf, W1s.astype(f32), W3s.astype(f32), W2s.astype(f32))
    yr = _routed_call(te, xg, W1.astype(f32), W3.astype(f32), W2.astype(f32))
    yg = _make_gather_sc()(yr, pos0, pos1)
    y = _combine_call(yg, wcomb, z)
    return y.reshape(shape)

# --- scband reference (transcript-rebuilt; emitter-appended) ---
"""Pipeline reference for scband-mo-e-7378753814908 (READ-ONLY COPY).

The authoritative reference and input builder live on the scoring server;
editing this copy changes nothing except your own understanding.
"""

import jax, jax.numpy as jnp
import numpy as np

DIM = 1024
INTER = 512
E = 8
TOPK = 2
ROUTE_SCALE = 1.0
B, S = 1, 2048


def setup_inputs(seed: int = 0) -> dict:
    key = jax.random.key(seed)
    ks = jax.random.split(key, 10)
    x = jax.random.normal(ks[0], (B, S, DIM), dtype=jnp.float32)
    Wg = jax.random.normal(ks[1], (E, DIM), dtype=jnp.float32) * 0.02
    bias_g = jax.random.normal(ks[2], (E,), dtype=jnp.float32) * 0.02
    W1 = jax.random.normal(ks[3], (E, INTER, DIM), dtype=jnp.float32) * 0.02
    W2 = jax.random.normal(ks[4], (E, DIM, INTER), dtype=jnp.float32) * 0.02
    W3 = jax.random.normal(ks[5], (E, INTER, DIM), dtype=jnp.float32) * 0.02
    W1s = jax.random.normal(ks[6], (INTER, DIM), dtype=jnp.float32) * 0.02
    W2s = jax.random.normal(ks[7], (DIM, INTER), dtype=jnp.float32) * 0.02
    W3s = jax.random.normal(ks[8], (INTER, DIM), dtype=jnp.float32) * 0.02
    return {"x": x, "Wg": Wg, "bias_g": bias_g, "W1": W1, "W2": W2, "W3": W3,
            "W1s": W1s, "W2s": W2s, "W3s": W3s}


def reference(x, Wg, bias_g, W1, W2, W3, W1s, W2s, W3s):
    shape = x.shape
    xf = x.reshape(-1, shape[-1])
    # Gate: sqrtsoftplus score func + bias for routing, original scores for weights
    scores = xf.astype(jnp.float32) @ Wg.T
    scores = jnp.sqrt(jax.nn.softplus(scores))
    original_scores = scores
    scores = scores + bias_g
    _, idx = jax.lax.top_k(scores, TOPK)
    weights = jnp.take_along_axis(original_scores, idx, axis=1)
    weights = weights / jnp.sum(weights, axis=-1, keepdims=True)
    weights = weights * ROUTE_SCALE
    # combine weights per expert [T, E]
    onehot = jax.nn.one_hot(idx, E, dtype=weights.dtype)  # [T, k, E]
    combine = jnp.einsum("tk,tke->te", weights, onehot)
    # Routed experts (SwiGLU, routing weight applied to intermediate before w2,
    # matching Expert.forward(x, weights))
    gate = jnp.einsum("td,efd->tef", xf, W1)
    up = jnp.einsum("td,efd->tef", xf, W3)
    h = jax.nn.silu(gate) * up
    hw = h * combine[:, :, None]
    y = jnp.einsum("tef,edf->td", hw, W2)
    # Shared expert (no routing weights)
    gs = xf @ W1s.T
    us = xf @ W3s.T
    hs = jax.nn.silu(gs) * us
    z = hs @ W2s.T
    return (y + z).reshape(shape)

if __name__ == "__main__":
    import jax
    _d = setup_inputs()
    print(jax.jit(kernel)(*tuple(_d.values())))

</pallas_src>

<mosaic_0001>
#map = affine_map<(d0, d1) -> (0, 0)>
#map1 = affine_map<(d0, d1) -> (0)>
module attributes {stable_mosaic.version = 14 : i64} {
  func.func @_gather_sc(%arg0: i32, %arg1: i32, %arg2: memref<6144x512xi32, #tpu.memory_space<hbm>>, %arg3: memref<2048xi32, #tpu.memory_space<hbm>>, %arg4: memref<2048xi32, #tpu.memory_space<hbm>>, %arg5: memref<4096x512xi32, #tpu.memory_space<hbm>>, %arg6: memref<64xi32, #tpu.memory_space<vmem>>, %arg7: memref<64x512xi32, #tpu.memory_space<vmem>>, %arg8: memref<!tpu.dma_semaphore, #tpu.memory_space<semaphore_mem>>) attributes {dimension_semantics = [#tpu.dimension_semantics<core_parallel>, #tpu.dimension_semantics<subcore_parallel>], iteration_bounds = array<i64: 2, 16>, scalar_prefetch = 0 : i64, scratch_operands = 3 : i64, tpu.core_type = #tpu.core_type<sc_vector_subcore>, window_params = [{transform_indices = #map}, {transform_indices = #map1}, {transform_indices = #map1}, {transform_indices = #map}]} {
    %mul3A = arith.constant 2 : i32
    %mul3A_0 = arith.muli %arg1, %mul3A : i32
    %add3A = arith.addi %mul3A_0, %arg0 : i32
    %mul3A_1 = arith.constant 64 : i32
    %mul3A_2 = arith.muli %add3A, %mul3A_1 : i32
    "tpu.region"() ({
      %run_scoped3A = tpu.sem_alloc : memref<!tpu.dma_semaphore, #tpu.memory_space<semaphore_mem>>
      %dma_start3A_15 = tpu.memref_slice %arg3[%mul3A_2] : memref<2048xi32, #tpu.memory_space<hbm>> -> memref<64xi32, #tpu.memory_space<hbm>>
      %dma_start3A_16 = tpu.memref_slice %arg3[%mul3A_2] : memref<2048xi32, #tpu.memory_space<hbm>> -> memref<64xi32, #tpu.memory_space<hbm>>
      tpu.enqueue_dma source(%dma_start3A_16 : memref<64xi32, #tpu.memory_space<hbm>>) target(%arg6 : memref<64xi32, #tpu.memory_space<vmem>>) target_semaphore(%run_scoped3A : memref<!tpu.dma_semaphore, #tpu.memory_space<semaphore_mem>>)
      %dma_wait3A_17 = tpu.memref_slice %arg3[%mul3A_2] : memref<2048xi32, #tpu.memory_space<hbm>> -> memref<64xi32, #tpu.memory_space<hbm>>
      %dma_wait3A_18 = tpu.memref_slice %arg3[%mul3A_2] : memref<2048xi32, #tpu.memory_space<hbm>> -> memref<64xi32, #tpu.memory_space<hbm>>
      tpu.wait_dma2 semaphore(%run_scoped3A : memref<!tpu.dma_semaphore, #tpu.memory_space<semaphore_mem>>) src(%dma_wait3A_18 : memref<64xi32, #tpu.memory_space<hbm>>) dst(%arg6 : memref<64xi32, #tpu.memory_space<vmem>>)
      tpu.yield
    }) : () -> ()
    %dma_start3A = arith.constant 0 : i32
    %dma_start3A_3 = arith.constant 0 : i32
    %dma_start3A_4 = tpu.memref_slice %arg2[%dma_start3A, %dma_start3A_3] : memref<6144x512xi32, #tpu.memory_space<hbm>> -> memref<6144x512xi32, #tpu.memory_space<hbm>>
    tpu.enqueue_indirect_dma source(%dma_start3A_4 : memref<6144x512xi32, #tpu.memory_space<hbm>>) target(%arg7 : memref<64x512xi32, #tpu.memory_space<vmem>>) offsets(%arg6 : memref<64xi32, #tpu.memory_space<vmem>>) semaphore(%arg8 : memref<!tpu.dma_semaphore, #tpu.memory_space<semaphore_mem>>)
    %dma_wait3A = arith.constant 0 : i32
    %dma_wait3A_5 = arith.constant 0 : i32
    %dma_wait3A_6 = tpu.memref_slice %arg2[%dma_wait3A, %dma_wait3A_5] : memref<6144x512xi32, #tpu.memory_space<hbm>> -> memref<6144x512xi32, #tpu.memory_space<hbm>>
    tpu.wait_indirect_dma semaphore(%arg8 : memref<!tpu.dma_semaphore, #tpu.memory_space<semaphore_mem>>) src(%dma_wait3A_6 : memref<6144x512xi32, #tpu.memory_space<hbm>>) dst(%arg7 : memref<64x512xi32, #tpu.memory_space<vmem>>)
    "tpu.region"() ({
      %run_scoped3A = tpu.sem_alloc : memref<!tpu.dma_semaphore, #tpu.memory_space<semaphore_mem>>
      %dma_start3A_15 = arith.constant 0 : i32
      %dma_start3A_16 = tpu.memref_slice %arg5[%mul3A_2, %dma_start3A_15] : memref<4096x512xi32, #tpu.memory_space<hbm>> -> memref<64x512xi32, #tpu.memory_space<hbm>>
      %dma_start3A_17 = arith.constant 0 : i32
      %dma_start3A_18 = tpu.memref_slice %arg5[%mul3A_2, %dma_start3A_17] : memref<4096x512xi32, #tpu.memory_space<hbm>> -> memref<64x512xi32, #tpu.memory_space<hbm>>
      tpu.enqueue_dma source(%arg7 : memref<64x512xi32, #tpu.memory_space<vmem>>) target(%dma_start3A_18 : memref<64x512xi32, #tpu.memory_space<hbm>>) target_semaphore(%run_scoped3A : memref<!tpu.dma_semaphore, #tpu.memory_space<semaphore_mem>>)
      %dma_wait3A_19 = arith.constant 0 : i32
      %dma_wait3A_20 = tpu.memref_slice %arg5[%mul3A_2, %dma_wait3A_19] : memref<4096x512xi32, #tpu.memory_space<hbm>> -> memref<64x512xi32, #tpu.memory_space<hbm>>
      %dma_wait3A_21 = arith.constant 0 : i32
      %dma_wait3A_22 = tpu.memref_slice %arg5[%mul3A_2, %dma_wait3A_21] : memref<4096x512xi32, #tpu.memory_space<hbm>> -> memref<64x512xi32, #tpu.memory_space<hbm>>
      tpu.wait_dma2 semaphore(%run_scoped3A : memref<!tpu.dma_semaphore, #tpu.memory_space<semaphore_mem>>) src(%arg7 : memref<64x512xi32, #tpu.memory_space<vmem>>) dst(%dma_wait3A_22 : memref<64x512xi32, #tpu.memory_space<hbm>>)
      tpu.yield
    }) : () -> ()
    "tpu.region"() ({
      %run_scoped3A = tpu.sem_alloc : memref<!tpu.dma_semaphore, #tpu.memory_space<semaphore_mem>>
      %dma_start3A_15 = tpu.memref_slice %arg4[%mul3A_2] : memref<2048xi32, #tpu.memory_space<hbm>> -> memref<64xi32, #tpu.memory_space<hbm>>
      %dma_start3A_16 = tpu.memref_slice %arg4[%mul3A_2] : memref<2048xi32, #tpu.memory_space<hbm>> -> memref<64xi32, #tpu.memory_space<hbm>>
      tpu.enqueue_dma source(%dma_start3A_16 : memref<64xi32, #tpu.memory_space<hbm>>) target(%arg6 : memref<64xi32, #tpu.memory_space<vmem>>) target_semaphore(%run_scoped3A : memref<!tpu.dma_semaphore, #tpu.memory_space<semaphore_mem>>)
      %dma_wait3A_17 = tpu.memref_slice %arg4[%mul3A_2] : memref<2048xi32, #tpu.memory_space<hbm>> -> memref<64xi32, #tpu.memory_space<hbm>>
      %dma_wait3A_18 = tpu.memref_slice %arg4[%mul3A_2] : memref<2048xi32, #tpu.memory_space<hbm>> -> memref<64xi32, #tpu.memory_space<hbm>>
      tpu.wait_dma2 semaphore(%run_scoped3A : memref<!tpu.dma_semaphore, #tpu.memory_space<semaphore_mem>>) src(%dma_wait3A_18 : memref<64xi32, #tpu.memory_space<hbm>>) dst(%arg6 : memref<64xi32, #tpu.memory_space<vmem>>)
      tpu.yield
    }) : () -> ()
    %dma_start3A_7 = arith.constant 0 : i32
    %dma_start3A_8 = arith.constant 0 : i32
    %dma_start3A_9 = tpu.memref_slice %arg2[%dma_start3A_7, %dma_start3A_8] : memref<6144x512xi32, #tpu.memory_space<hbm>> -> memref<6144x512xi32, #tpu.memory_space<hbm>>
    tpu.enqueue_indirect_dma source(%dma_start3A_9 : memref<6144x512xi32, #tpu.memory_space<hbm>>) target(%arg7 : memref<64x512xi32, #tpu.memory_space<vmem>>) offsets(%arg6 : memref<64xi32, #tpu.memory_space<vmem>>) semaphore(%arg8 : memref<!tpu.dma_semaphore, #tpu.memory_space<semaphore_mem>>)
    %dma_wait3A_10 = arith.constant 0 : i32
    %dma_wait3A_11 = arith.constant 0 : i32
    %dma_wait3A_12 = tpu.memref_slice %arg2[%dma_wait3A_10, %dma_wait3A_11] : memref<6144x512xi32, #tpu.memory_space<hbm>> -> memref<6144x512xi32, #tpu.memory_space<hbm>>
    tpu.wait_indirect_dma semaphore(%arg8 : memref<!tpu.dma_semaphore, #tpu.memory_space<semaphore_mem>>) src(%dma_wait3A_12 : memref<6144x512xi32, #tpu.memory_space<hbm>>) dst(%arg7 : memref<64x512xi32, #tpu.memory_space<vmem>>)
    %add3A_13 = arith.constant 2048 : i32
    %add3A_14 = arith.addi %add3A_13, %mul3A_2 : i32
    "tpu.region"() ({
      %run_scoped3A = tpu.sem_alloc : memref<!tpu.dma_semaphore, #tpu.memory_space<semaphore_mem>>
      %dma_start3A_15 = arith.constant 0 : i32
      %dma_start3A_16 = tpu.memref_slice %arg5[%add3A_14, %dma_start3A_15] : memref<4096x512xi32, #tpu.memory_space<hbm>> -> memref<64x512xi32, #tpu.memory_space<hbm>>
      %dma_start3A_17 = arith.constant 0 : i32
      %dma_start3A_18 = tpu.memref_slice %arg5[%add3A_14, %dma_start3A_17] : memref<4096x512xi32, #tpu.memory_space<hbm>> -> memref<64x512xi32, #tpu.memory_space<hbm>>
      tpu.enqueue_dma source(%arg7 : memref<64x512xi32, #tpu.memory_space<vmem>>) target(%dma_start3A_18 : memref<64x512xi32, #tpu.memory_space<hbm>>) target_semaphore(%run_scoped3A : memref<!tpu.dma_semaphore, #tpu.memory_space<semaphore_mem>>)
      %dma_wait3A_19 = arith.constant 0 : i32
      %dma_wait3A_20 = tpu.memref_slice %arg5[%add3A_14, %dma_wait3A_19] : memref<4096x512xi32, #tpu.memory_space<hbm>> -> memref<64x512xi32, #tpu.memory_space<hbm>>
      %dma_wait3A_21 = arith.constant 0 : i32
      %dma_wait3A_22 = tpu.memref_slice %arg5[%add3A_14, %dma_wait3A_21] : memref<4096x512xi32, #tpu.memory_space<hbm>> -> memref<64x512xi32, #tpu.memory_space<hbm>>
      tpu.wait_dma2 semaphore(%run_scoped3A : memref<!tpu.dma_semaphore, #tpu.memory_space<semaphore_mem>>) src(%arg7 : memref<64x512xi32, #tpu.memory_space<vmem>>) dst(%dma_wait3A_22 : memref<64x512xi32, #tpu.memory_space<hbm>>)
      tpu.yield
    }) : () -> ()
    return
  }
}

#map = affine_map<(d0, d1) -> (0, 0)>
#map1 = affine_map<(d0, d1) -> (0)>
module attributes {stable_mosaic.version = 14 : i64} {
  func.func @_dispatch_sc(%arg0: i32, %arg1: i32, %arg2: memref<2048x512xi32, #tpu.memory_space<hbm>>, %arg3: memref<2048xi32, #tpu.memory_space<hbm>>, %arg4: memref<2048xi32, #tpu.memory_space<hbm>>, %arg5: memref<6144x512xi32, #tpu.memory_space<hbm>>, %arg6: memref<64xi32, #tpu.memory_space<vmem>>, %arg7: memref<64xi32, #tpu.memory_space<vmem>>, %arg8: memref<64x512xi32, #tpu.memory_space<vmem>>, %arg9: memref<!tpu.dma_semaphore, #tpu.memory_space<semaphore_mem>>, %arg10: memref<!tpu.dma_semaphore, #tpu.memory_space<semaphore_mem>>, %arg11: memref<!tpu.dma_semaphore, #tpu.memory_space<semaphore_mem>>) attributes {dimension_semantics = [#tpu.dimension_semantics<core_parallel>, #tpu.dimension_semantics<subcore_parallel>], iteration_bounds = array<i64: 2, 16>, scalar_prefetch = 0 : i64, scratch_operands = 6 : i64, tpu.core_type = #tpu.core_type<sc_vector_subcore>, window_params = [{transform_indices = #map}, {transform_indices = #map1}, {transform_indices = #map1}, {transform_indices = #map}]} {
    %mul3A = arith.constant 2 : i32
    %mul3A_0 = arith.muli %arg1, %mul3A : i32
    %add3A = arith.addi %mul3A_0, %arg0 : i32
    %mul3A_1 = arith.constant 64 : i32
    %mul3A_2 = arith.muli %add3A, %mul3A_1 : i32
    %dma_start3A = tpu.memref_slice %arg3[%mul3A_2] : memref<2048xi32, #tpu.memory_space<hbm>> -> memref<64xi32, #tpu.memory_space<hbm>>
    %dma_start3A_3 = tpu.memref_slice %arg3[%mul3A_2] : memref<2048xi32, #tpu.memory_space<hbm>> -> memref<64xi32, #tpu.memory_space<hbm>>
    tpu.enqueue_dma source(%dma_start3A_3 : memref<64xi32, #tpu.memory_space<hbm>>) target(%arg6 : memref<64xi32, #tpu.memory_space<vmem>>) target_semaphore(%arg9 : memref<!tpu.dma_semaphore, #tpu.memory_space<semaphore_mem>>)
    %dma_start3A_4 = tpu.memref_slice %arg4[%mul3A_2] : memref<2048xi32, #tpu.memory_space<hbm>> -> memref<64xi32, #tpu.memory_space<hbm>>
    %dma_start3A_5 = tpu.memref_slice %arg4[%mul3A_2] : memref<2048xi32, #tpu.memory_space<hbm>> -> memref<64xi32, #tpu.memory_space<hbm>>
    tpu.enqueue_dma source(%dma_start3A_5 : memref<64xi32, #tpu.memory_space<hbm>>) target(%arg7 : memref<64xi32, #tpu.memory_space<vmem>>) target_semaphore(%arg10 : memref<!tpu.dma_semaphore, #tpu.memory_space<semaphore_mem>>)
    %dma_start3A_6 = arith.constant 0 : i32
    %dma_start3A_7 = tpu.memref_slice %arg2[%mul3A_2, %dma_start3A_6] : memref<2048x512xi32, #tpu.memory_space<hbm>> -> memref<64x512xi32, #tpu.memory_space<hbm>>
    %dma_start3A_8 = arith.constant 0 : i32
    %dma_start3A_9 = tpu.memref_slice %arg2[%mul3A_2, %dma_start3A_8] : memref<2048x512xi32, #tpu.memory_space<hbm>> -> memref<64x512xi32, #tpu.memory_space<hbm>>
    tpu.enqueue_dma source(%dma_start3A_9 : memref<64x512xi32, #tpu.memory_space<hbm>>) target(%arg8 : memref<64x512xi32, #tpu.memory_space<vmem>>) target_semaphore(%arg11 : memref<!tpu.dma_semaphore, #tpu.memory_space<semaphore_mem>>)
    %dma_wait3A = tpu.memref_slice %arg3[%mul3A_2] : memref<2048xi32, #tpu.memory_space<hbm>> -> memref<64xi32, #tpu.memory_space<hbm>>
    %dma_wait3A_10 = tpu.memref_slice %arg3[%mul3A_2] : memref<2048xi32, #tpu.memory_space<hbm>> -> memref<64xi32, #tpu.memory_space<hbm>>
    tpu.wait_dma2 semaphore(%arg9 : memref<!tpu.dma_semaphore, #tpu.memory_space<semaphore_mem>>) src(%dma_wait3A_10 : memref<64xi32, #tpu.memory_space<hbm>>) dst(%arg6 : memref<64xi32, #tpu.memory_space<vmem>>)
    %dma_wait3A_11 = tpu.memref_slice %arg4[%mul3A_2] : memref<2048xi32, #tpu.memory_space<hbm>> -> memref<64xi32, #tpu.memory_space<hbm>>
    %dma_wait3A_12 = tpu.memref_slice %arg4[%mul3A_2] : memref<2048xi32, #tpu.memory_space<hbm>> -> memref<64xi32, #tpu.memory_space<hbm>>
    tpu.wait_dma2 semaphore(%arg10 : memref<!tpu.dma_semaphore, #tpu.memory_space<semaphore_mem>>) src(%dma_wait3A_12 : memref<64xi32, #tpu.memory_space<hbm>>) dst(%arg7 : memref<64xi32, #tpu.memory_space<vmem>>)
    %dma_wait3A_13 = arith.constant 0 : i32
    %dma_wait3A_14 = tpu.memref_slice %arg2[%mul3A_2, %dma_wait3A_13] : memref<2048x512xi32, #tpu.memory_space<hbm>> -> memref<64x512xi32, #tpu.memory_space<hbm>>
    %dma_wait3A_15 = arith.constant 0 : i32
    %dma_wait3A_16 = tpu.memref_slice %arg2[%mul3A_2, %dma_wait3A_15] : memref<2048x512xi32, #tpu.memory_space<hbm>> -> memref<64x512xi32, #tpu.memory_space<hbm>>
    tpu.wait_dma2 semaphore(%arg11 : memref<!tpu.dma_semaphore, #tpu.memory_space<semaphore_mem>>) src(%dma_wait3A_16 : memref<64x512xi32, #tpu.memory_space<hbm>>) dst(%arg8 : memref<64x512xi32, #tpu.memory_space<vmem>>)
    %dma_start3A_17 = arith.constant 0 : i32
    %dma_start3A_18 = arith.constant 0 : i32
    %dma_start3A_19 = tpu.memref_slice %arg5[%dma_start3A_17, %dma_start3A_18] : memref<6144x512xi32, #tpu.memory_space<hbm>> -> memref<6144x512xi32, #tpu.memory_space<hbm>>
    tpu.enqueue_indirect_dma source(%arg8 : memref<64x512xi32, #tpu.memory_space<vmem>>) target(%dma_start3A_19 : memref<6144x512xi32, #tpu.memory_space<hbm>>) offsets(%arg6 : memref<64xi32, #tpu.memory_space<vmem>>) semaphore(%arg9 : memref<!tpu.dma_semaphore, #tpu.memory_space<semaphore_mem>>)
    %dma_start3A_20 = arith.constant 0 : i32
    %dma_start3A_21 = arith.constant 0 : i32
    %dma_start3A_22 = tpu.memref_slice %arg5[%dma_start3A_20, %dma_start3A_21] : memref<6144x512xi32, #tpu.memory_space<hbm>> -> memref<6144x512xi32, #tpu.memory_space<hbm>>
    tpu.enqueue_indirect_dma source(%arg8 : memref<64x512xi32, #tpu.memory_space<vmem>>) target(%dma_start3A_22 : memref<6144x512xi32, #tpu.memory_space<hbm>>) offsets(%arg7 : memref<64xi32, #tpu.memory_space<vmem>>) semaphore(%arg10 : memref<!tpu.dma_semaphore, #tpu.memory_space<semaphore_mem>>)
    %dma_wait3A_23 = arith.constant 0 : i32
    %dma_wait3A_24 = arith.constant 0 : i32
    %dma_wait3A_25 = tpu.memref_slice %arg5[%dma_wait3A_23, %dma_wait3A_24] : memref<6144x512xi32, #tpu.memory_space<hbm>> -> memref<6144x512xi32, #tpu.memory_space<hbm>>
    tpu.wait_indirect_dma semaphore(%arg9 : memref<!tpu.dma_semaphore, #tpu.memory_space<semaphore_mem>>) src(%arg8 : memref<64x512xi32, #tpu.memory_space<vmem>>) dst(%dma_wait3A_25 : memref<6144x512xi32, #tpu.memory_space<hbm>>)
    %dma_wait3A_26 = arith.constant 0 : i32
    %dma_wait3A_27 = arith.constant 0 : i32
    %dma_wait3A_28 = tpu.memref_slice %arg5[%dma_wait3A_26, %dma_wait3A_27] : memref<6144x512xi32, #tpu.memory_space<hbm>> -> memref<6144x512xi32, #tpu.memory_space<hbm>>
    tpu.wait_indirect_dma semaphore(%arg10 : memref<!tpu.dma_semaphore, #tpu.memory_space<semaphore_mem>>) src(%arg8 : memref<64x512xi32, #tpu.memory_space<vmem>>) dst(%dma_wait3A_28 : memref<6144x512xi32, #tpu.memory_space<hbm>>)
    return
  }
}

module attributes {stable_mosaic.version = 14 : i64} {
  func.func @_routed_kernel(%arg0: i32, %arg1: memref<2x24xi32, #tpu.memory_space<smem>>, %arg2: memref<256x512xi32, #tpu.memory_space<vmem>>, %arg3: memref<1x512x1024xf32, #tpu.memory_space<vmem>>, %arg4: memref<1x512x1024xf32, #tpu.memory_space<vmem>>, %arg5: memref<1x1024x512xf32, #tpu.memory_space<vmem>>, %arg6: memref<256x512xi32, #tpu.memory_space<vmem>>) attributes {dimension_semantics = [#tpu.dimension_semantics<arbitrary>], iteration_bounds = array<i64: 24>, scalar_prefetch = 1 : i64, scratch_operands = 0 : i64, tpu.core_type = #tpu.core_type<tc>, window_params = [{transform_indices = @transform_0, window_bounds = array<i64: 256, 512>}, {transform_indices = @transform_1, window_bounds = array<i64: 1, 512, 1024>}, {transform_indices = @transform_2, window_bounds = array<i64: 1, 512, 1024>}, {transform_indices = @transform_3, window_bounds = array<i64: 1, 1024, 512>}, {transform_indices = @transform_4, window_bounds = array<i64: 256, 512>}]} {
    %get3A = arith.constant 1 : index
    %get3A_0 = arith.index_cast %arg0 : i32 to index
    %get3A_1 = memref.load %arg1[%get3A, %get3A_0] : memref<2x24xi32, #tpu.memory_space<smem>>
    %eq3A = arith.constant 1 : i32
    %eq3A_2 = arith.cmpi eq, %get3A_1, %eq3A : i32
    %convert_element_type3A = arith.extui %eq3A_2 : i1 to i32
    %cond3A = arith.constant 0 : i32
    %cond3A_3 = arith.cmpi ne, %convert_element_type3A, %cond3A : i32
    scf.if %cond3A_3 {
      %get3A_4 = arith.constant 0 : index
      %get3A_5 = arith.constant 0 : index
      %get3A_6 = vector.load %arg2[%get3A_4, %get3A_5] : memref<256x512xi32, #tpu.memory_space<vmem>>, vector<256x512xi32>
      %bitcast3A = tpu.bitcast %get3A_6 : vector<256x512xi32> -> vector<512x512xbf16>
      %reshape3A = vector.shape_cast %bitcast3A : vector<512x512xbf16> to vector<256x1024xbf16>
      %convert_element_type3A_7 = arith.extf %reshape3A : vector<256x1024xbf16> to vector<256x1024xf32>
      %get3A_8 = arith.constant 0 : index
      %get3A_9 = arith.constant 0 : index
      %get3A_10 = arith.constant 0 : index
      %get3A_11 = vector.load %arg3[%get3A_8, %get3A_9, %get3A_10] : memref<1x512x1024xf32, #tpu.memory_space<vmem>>, vector<1x512x1024xf32>
      %get3A_12 = vector.shape_cast %get3A_11 : vector<1x512x1024xf32> to vector<512x1024xf32>
      %dot_general3A = arith.constant dense<0.000000e+00> : vector<256x512xf32>
      %dot_general3A_13 = tpu.matmul %convert_element_type3A_7, %get3A_12, %dot_general3A {dimension_numbers = #tpu.dot_dimension_numbers<[1], [1], [0], [0], [0, 0, 1, 0], [], []>, transpose_lhs_hint = false} : vector<256x1024xf32>, vector<512x1024xf32>, vector<256x512xf32> -> vector<256x512xf32>
      %get3A_14 = arith.constant 0 : index
      %get3A_15 = arith.constant 0 : index
      %get3A_16 = arith.constant 0 : index
      %get3A_17 = vector.load %arg4[%get3A_14, %get3A_15, %get3A_16] : memref<1x512x1024xf32, #tpu.memory_space<vmem>>, vector<1x512x1024xf32>
      %get3A_18 = vector.shape_cast %get3A_17 : vector<1x512x1024xf32> to vector<512x1024xf32>
      %dot_general3A_19 = arith.constant dense<0.000000e+00> : vector<256x512xf32>
      %dot_general3A_20 = tpu.matmul %convert_element_type3A_7, %get3A_18, %dot_general3A_19 {dimension_numbers = #tpu.dot_dimension_numbers<[1], [1], [0], [0], [0, 0, 1, 0], [], []>, transpose_lhs_hint = false} : vector<256x1024xf32>, vector<512x1024xf32>, vector<256x512xf32> -> vector<256x512xf32>
      %logistic3A = arith.negf %dot_general3A_13 : vector<256x512xf32>
      %logistic3A_21 = math.exp %logistic3A : vector<256x512xf32>
      %logistic3A_22 = arith.constant 1.000000e+00 : f32
      %logistic3A_23 = vector.broadcast %logistic3A_22 : f32 to vector<256x512xf32>
      %logistic3A_24 = arith.addf %logistic3A_23, %logistic3A_21 : vector<256x512xf32>
      %logistic3A_25 = arith.divf %logistic3A_23, %logistic3A_24 : vector<256x512xf32>
      %mul3A = arith.mulf %dot_general3A_13, %logistic3A_25 : vector<256x512xf32>
      %mul3A_26 = arith.mulf %mul3A, %dot_general3A_20 : vector<256x512xf32>
      %get3A_27 = arith.constant 0 : index
      %get3A_28 = arith.constant 0 : index
      %get3A_29 = arith.constant 0 : index
      %get3A_30 = vector.load %arg5[%get3A_27, %get3A_28, %get3A_29] : memref<1x1024x512xf32, #tpu.memory_space<vmem>>, vector<1x1024x512xf32>
      %get3A_31 = vector.shape_cast %get3A_30 : vector<1x1024x512xf32> to vector<1024x512xf32>
      %dot_general3A_32 = arith.constant dense<0.000000e+00> : vector<256x1024xf32>
      %dot_general3A_33 = tpu.matmul %mul3A_26, %get3A_31, %dot_general3A_32 {dimension_numbers = #tpu.dot_dimension_numbers<[1], [1], [0], [0], [0, 0, 1, 0], [], []>, transpose_lhs_hint = false} : vector<256x512xf32>, vector<1024x512xf32>, vector<256x1024xf32> -> vector<256x1024xf32>
      %convert_element_type3A_34 = arith.truncf %dot_general3A_33 : vector<256x1024xf32> to vector<256x1024xbf16>
      %reshape3A_35 = vector.shape_cast %convert_element_type3A_34 : vector<256x1024xbf16> to vector<512x512xbf16>
      %bitcast3A_36 = tpu.bitcast %reshape3A_35 : vector<512x512xbf16> -> vector<256x512xi32>
      %swap3A = arith.constant 0 : index
      %swap3A_37 = arith.constant 0 : index
      %swap3A_38 = vector.load %arg6[%swap3A, %swap3A_37] : memref<256x512xi32, #tpu.memory_space<vmem>>, vector<256x512xi32>
      tpu.vector_store %arg6[%swap3A, %swap3A_37], %bitcast3A_36 {strides = array<i32>} : memref<256x512xi32, #tpu.memory_space<vmem>>, vector<256x512xi32>,
    } else {
    }
    return
  }
  func.func @transform_0(%arg0: i32, %arg1: memref<2x24xi32, #tpu.memory_space<smem>>) -> (i32, i32) {
    %c0_i32 = arith.constant 0 : i32
    %c0_i32_0 = arith.constant 0 : i32
    return %arg0, %c0_i32 : i32, i32
  }
  func.func @transform_1(%arg0: i32, %arg1: memref<2x24xi32, #tpu.memory_space<smem>>) -> (i32, i32, i32) {
    %get3A = arith.constant 0 : index
    %get3A_0 = arith.index_cast %arg0 : i32 to index
    %get3A_1 = memref.load %arg1[%get3A, %get3A_0] : memref<2x24xi32, #tpu.memory_space<smem>>
    %c0_i32 = arith.constant 0 : i32
    %c0_i32_2 = arith.constant 0 : i32
    %c0_i32_3 = arith.constant 0 : i32
    return %get3A_1, %c0_i32, %c0_i32_2 : i32, i32, i32
  }
  func.func @transform_2(%arg0: i32, %arg1: memref<2x24xi32, #tpu.memory_space<smem>>) -> (i32, i32, i32) {
    %get3A = arith.constant 0 : index
    %get3A_0 = arith.index_cast %arg0 : i32 to index
    %get3A_1 = memref.load %arg1[%get3A, %get3A_0] : memref<2x24xi32, #tpu.memory_space<smem>>
    %c0_i32 = arith.constant 0 : i32
    %c0_i32_2 = arith.constant 0 : i32
    %c0_i32_3 = arith.constant 0 : i32
    return %get3A_1, %c0_i32, %c0_i32_2 : i32, i32, i32
  }
  func.func @transform_3(%arg0: i32, %arg1: memref<2x24xi32, #tpu.memory_space<smem>>) -> (i32, i32, i32) {
    %get3A = arith.constant 0 : index
    %get3A_0 = arith.index_cast %arg0 : i32 to index
    %get3A_1 = memref.load %arg1[%get3A, %get3A_0] : memref<2x24xi32, #tpu.memory_space<smem>>
    %c0_i32 = arith.constant 0 : i32
    %c0_i32_2 = arith.constant 0 : i32
    %c0_i32_3 = arith.constant 0 : i32
    return %get3A_1, %c0_i32, %c0_i32_2 : i32, i32, i32
  }
  func.func @transform_4(%arg0: i32, %arg1: memref<2x24xi32, #tpu.memory_space<smem>>) -> (i32, i32) {
    %c0_i32 = arith.constant 0 : i32
    %c0_i32_0 = arith.constant 0 : i32
    return %arg0, %c0_i32 : i32, i32
  }
}

module attributes {stable_mosaic.version = 14 : i64} {
  func.func @_shared_kernel(%arg0: i32, %arg1: memref<256x1024xf32, #tpu.memory_space<vmem>>, %arg2: memref<512x1024xf32, #tpu.memory_space<vmem>>, %arg3: memref<512x1024xf32, #tpu.memory_space<vmem>>, %arg4: memref<1024x512xf32, #tpu.memory_space<vmem>>, %arg5: memref<256x1024xf32, #tpu.memory_space<vmem>>) attributes {dimension_semantics = [#tpu.dimension_semantics<arbitrary>], iteration_bounds = array<i64: 8>, scalar_prefetch = 0 : i64, scratch_operands = 0 : i64, tpu.core_type = #tpu.core_type<tc>, window_params = [{transform_indices = @transform_0, window_bounds = array<i64: 256, 1024>}, {pipeline_mode = #tpu.pipeline_mode<synchronous>, transform_indices = @transform_1, window_bounds = array<i64: 512, 1024>}, {pipeline_mode = #tpu.pipeline_mode<synchronous>, transform_indices = @transform_2, window_bounds = array<i64: 512, 1024>}, {pipeline_mode = #tpu.pipeline_mode<synchronous>, transform_indices = @transform_3, window_bounds = array<i64: 1024, 512>}, {transform_indices = @transform_4, window_bounds = array<i64: 256, 1024>}]} {
    %get3A = arith.constant 0 : index
    %get3A_0 = arith.constant 0 : index
    %get3A_1 = vector.load %arg1[%get3A, %get3A_0] : memref<256x1024xf32, #tpu.memory_space<vmem>>, vector<256x1024xf32>
    %get3A_2 = arith.constant 0 : index
    %get3A_3 = arith.constant 0 : index
    %get3A_4 = vector.load %arg2[%get3A_2, %get3A_3] : memref<512x1024xf32, #tpu.memory_space<vmem>>, vector<512x1024xf32>
    %dot_general3A = arith.constant dense<0.000000e+00> : vector<256x512xf32>
    %dot_general3A_5 = tpu.matmul %get3A_1, %get3A_4, %dot_general3A {dimension_numbers = #tpu.dot_dimension_numbers<[1], [1], [0], [0], [0, 0, 1, 0], [], []>, transpose_lhs_hint = false} : vector<256x1024xf32>, vector<512x1024xf32>, vector<256x512xf32> -> vector<256x512xf32>
    %get3A_6 = arith.constant 0 : index
    %get3A_7 = arith.constant 0 : index
    %get3A_8 = vector.load %arg3[%get3A_6, %get3A_7] : memref<512x1024xf32, #tpu.memory_space<vmem>>, vector<512x1024xf32>
    %dot_general3A_9 = arith.constant dense<0.000000e+00> : vector<256x512xf32>
    %dot_general3A_10 = tpu.matmul %get3A_1, %get3A_8, %dot_general3A_9 {dimension_numbers = #tpu.dot_dimension_numbers<[1], [1], [0], [0], [0, 0, 1, 0], [], []>, transpose_lhs_hint = false} : vector<256x1024xf32>, vector<512x1024xf32>, vector<256x512xf32> -> vector<256x512xf32>
    %logistic3A = arith.negf %dot_general3A_5 : vector<256x512xf32>
    %logistic3A_11 = math.exp %logistic3A : vector<256x512xf32>
    %logistic3A_12 = arith.constant 1.000000e+00 : f32
    %logistic3A_13 = vector.broadcast %logistic3A_12 : f32 to vector<256x512xf32>
    %logistic3A_14 = arith.addf %logistic3A_13, %logistic3A_11 : vector<256x512xf32>
    %logistic3A_15 = arith.divf %logistic3A_13, %logistic3A_14 : vector<256x512xf32>
    %mul3A = arith.mulf %dot_general3A_5, %logistic3A_15 : vector<256x512xf32>
    %mul3A_16 = arith.mulf %mul3A, %dot_general3A_10 : vector<256x512xf32>
    %get3A_17 = arith.constant 0 : index
    %get3A_18 = arith.constant 0 : index
    %get3A_19 = vector.load %arg4[%get3A_17, %get3A_18] : memref<1024x512xf32, #tpu.memory_space<vmem>>, vector<1024x512xf32>
    %dot_general3A_20 = arith.constant dense<0.000000e+00> : vector<256x1024xf32>
    %dot_general3A_21 = tpu.matmul %mul3A_16, %get3A_19, %dot_general3A_20 {dimension_numbers = #tpu.dot_dimension_numbers<[1], [1], [0], [0], [0, 0, 1, 0], [], []>, transpose_lhs_hint = false} : vector<256x512xf32>, vector<1024x512xf32>, vector<256x1024xf32> -> vector<256x1024xf32>
    %swap3A = arith.constant 0 : index
    %swap3A_22 = arith.constant 0 : index
    %swap3A_23 = vector.load %arg5[%swap3A, %swap3A_22] : memref<256x1024xf32, #tpu.memory_space<vmem>>, vector<256x1024xf32>
    tpu.vector_store %arg5[%swap3A, %swap3A_22], %dot_general3A_21 {strides = array<i32>} : memref<256x1024xf32, #tpu.memory_space<vmem>>, vector<256x1024xf32>,
    return
  }
  func.func @transform_0(%arg0: i32) -> (i32, i32) {
    %c0_i32 = arith.constant 0 : i32
    %c0_i32_0 = arith.constant 0 : i32
    return %arg0, %c0_i32 : i32, i32
  }
  func.func @transform_1(%arg0: i32) -> (i32, i32) {
    %c0_i32 = arith.constant 0 : i32
    %c0_i32_0 = arith.constant 0 : i32
    %c0_i32_1 = arith.constant 0 : i32
    return %c0_i32, %c0_i32_0 : i32, i32
  }
  func.func @transform_2(%arg0: i32) -> (i32, i32) {
    %c0_i32 = arith.constant 0 : i32
    %c0_i32_0 = arith.constant 0 : i32
    %c0_i32_1 = arith.constant 0 : i32
    return %c0_i32, %c0_i32_0 : i32, i32
  }
  func.func @transform_3(%arg0: i32) -> (i32, i32) {
    %c0_i32 = arith.constant 0 : i32
    %c0_i32_0 = arith.constant 0 : i32
    %c0_i32_1 = arith.constant 0 : i32
    return %c0_i32, %c0_i32_0 : i32, i32
  }
  func.func @transform_4(%arg0: i32) -> (i32, i32) {
    %c0_i32 = arith.constant 0 : i32
    %c0_i32_0 = arith.constant 0 : i32
    return %arg0, %c0_i32 : i32, i32
  }
}

module attributes {stable_mosaic.version = 14 : i64} {
  func.func @_plan_kernel(%arg0: memref<2048x1024xf32, #tpu.memory_space<vmem>>, %arg1: memref<8x1024xf32, #tpu.memory_space<vmem>>, %arg2: memref<8x8xf32, #tpu.memory_space<vmem>>, %arg3: memref<2048x2xi32, #tpu.memory_space<vmem>>, %arg4: memref<2048x2xf32, #tpu.memory_space<vmem>>, %arg5: memref<8x64xi32, #tpu.memory_space<vmem>>, %arg6: memref<2048x512xi32, #tpu.memory_space<vmem>>) attributes {dimension_semantics = [], scalar_prefetch = 0 : i64, scratch_operands = 0 : i64, tpu.core_type = #tpu.core_type<tc>} {
    %get3A = arith.constant 0 : index
    %get3A_0 = arith.constant 0 : index
    %get3A_1 = vector.load %arg0[%get3A, %get3A_0] : memref<2048x1024xf32, #tpu.memory_space<vmem>>, vector<2048x1024xf32>
    %convert_element_type3A = arith.truncf %get3A_1 : vector<2048x1024xf32> to vector<2048x1024xbf16>
    %get3A_2 = arith.constant 0 : index
    %get3A_3 = arith.constant 0 : index
    %get3A_4 = vector.load %arg1[%get3A_2, %get3A_3] : memref<8x1024xf32, #tpu.memory_space<vmem>>, vector<8x1024xf32>
    %convert_element_type3A_5 = arith.truncf %get3A_4 : vector<8x1024xf32> to vector<8x1024xbf16>
    %dot_general3A = arith.constant dense<0.000000e+00> : vector<2048x8xf32>
    %dot_general3A_6 = tpu.matmul %convert_element_type3A, %convert_element_type3A_5, %dot_general3A {dimension_numbers = #tpu.dot_dimension_numbers<[1], [1], [0], [0], [0, 0, 1, 0], [], []>, transpose_lhs_hint = false} : vector<2048x1024xbf16>, vector<8x1024xbf16>, vector<2048x8xf32> -> vector<2048x8xf32>
    %custom_jvp_call3A = arith.constant 0.000000e+00 : f32
    %max3A = vector.broadcast %custom_jvp_call3A : f32 to vector<2048x8xf32>
    %max3A_7 = arith.maximumf %dot_general3A_6, %max3A : vector<2048x8xf32>
    %sub3A = vector.broadcast %custom_jvp_call3A : f32 to vector<2048x8xf32>
    %sub3A_8 = arith.subf %dot_general3A_6, %sub3A : vector<2048x8xf32>
    %ne3A = arith.cmpf one, %sub3A_8, %sub3A_8 : vector<2048x8xf32>
    %add3A = vector.broadcast %custom_jvp_call3A : f32 to vector<2048x8xf32>
    %add3A_9 = arith.addf %dot_general3A_6, %add3A : vector<2048x8xf32>
    %abs3A = math.absf %sub3A_8 : vector<2048x8xf32>
    %neg3A = arith.constant 0.000000e+00 : f32
    %neg3A_10 = vector.broadcast %neg3A : f32 to vector<2048x8xf32>
    %neg3A_11 = arith.subf %neg3A_10, %abs3A : vector<2048x8xf32>
    %exp3A = math.exp %neg3A_11 : vector<2048x8xf32>
    %log1p3A = math.log1p %exp3A : vector<2048x8xf32>
    %add3A_12 = arith.addf %max3A_7, %log1p3A : vector<2048x8xf32>
    %select_n3A = arith.select %ne3A, %add3A_9, %add3A_12 : vector<2048x8xi1>, vector<2048x8xf32>
    %sqrt3A = math.sqrt %select_n3A : vector<2048x8xf32>
    %get3A_13 = arith.constant 0 : index
    %get3A_14 = arith.constant 0 : index
    %get3A_15 = vector.load %arg2[%get3A_13, %get3A_14] : memref<8x8xf32, #tpu.memory_space<vmem>>, vector<1x8xf32>
    %add3A_16 = vector.broadcast %get3A_15 : vector<1x8xf32> to vector<2048x8xf32>
    %add3A_17 = arith.addf %sqrt3A, %add3A_16 : vector<2048x8xf32>
    %iota3A = tpu.iota {dimensions = array<i32: 1>} : vector<2048x8xi32>
    %reduce_max3A = arith.constant dense<0xFF800000> : vector<2048xf32>
    %reduce_max3A_18 = vector.multi_reduction <maximumf>, %add3A_17, %reduce_max3A [1] : vector<2048x8xf32> to vector<2048xf32>
    %broadcast_in_dim3A = vector.shape_cast %reduce_max3A_18 : vector<2048xf32> to vector<2048x1xf32>
    %eq3A = vector.broadcast %broadcast_in_dim3A : vector<2048x1xf32> to vector<2048x8xf32>
    %eq3A_19 = arith.cmpf oeq, %add3A_17, %eq3A : vector<2048x8xf32>
    %jit3A = arith.constant 8 : i32
    %broadcast_in_dim3A_20 = vector.broadcast %jit3A : i32 to vector<2048x8xi32>
    %select_n3A_21 = arith.select %eq3A_19, %iota3A, %broadcast_in_dim3A_20 : vector<2048x8xi1>, vector<2048x8xi32>
    %reduce_min3A = arith.constant dense<2147483647> : vector<2048xi32>
    %reduce_min3A_22 = vector.multi_reduction <minsi>, %select_n3A_21, %reduce_min3A [1] : vector<2048x8xi32> to vector<2048xi32>
    %broadcast_in_dim3A_23 = vector.shape_cast %reduce_min3A_22 : vector<2048xi32> to vector<2048x1xi32>
    %eq3A_24 = vector.broadcast %broadcast_in_dim3A_23 : vector<2048x1xi32> to vector<2048x8xi32>
    %eq3A_25 = arith.cmpi eq, %iota3A, %eq3A_24 : vector<2048x8xi32>
    %jit3A_26 = arith.constant 0xFF800000 : f32
    %broadcast_in_dim3A_27 = vector.broadcast %jit3A_26 : f32 to vector<2048x8xf32>
    %select_n3A_28 = arith.select %eq3A_25, %broadcast_in_dim3A_27, %add3A_17 : vector<2048x8xi1>, vector<2048x8xf32>
    %reduce_max3A_29 = arith.constant dense<0xFF800000> : vector<2048xf32>
    %reduce_max3A_30 = vector.multi_reduction <maximumf>, %select_n3A_28, %reduce_max3A_29 [1] : vector<2048x8xf32> to vector<2048xf32>
    %broadcast_in_dim3A_31 = vector.shape_cast %reduce_max3A_30 : vector<2048xf32> to vector<2048x1xf32>
    %eq3A_32 = vector.broadcast %broadcast_in_dim3A_31 : vector<2048x1xf32> to vector<2048x8xf32>
    %eq3A_33 = arith.cmpf oeq, %select_n3A_28, %eq3A_32 : vector<2048x8xf32>
    %jit3A_34 = arith.constant 8 : i32
    %broadcast_in_dim3A_35 = vector.broadcast %jit3A_34 : i32 to vector<2048x8xi32>
    %select_n3A_36 = arith.select %eq3A_33, %iota3A, %broadcast_in_dim3A_35 : vector<2048x8xi1>, vector<2048x8xi32>
    %reduce_min3A_37 = arith.constant dense<2147483647> : vector<2048xi32>
    %reduce_min3A_38 = vector.multi_reduction <minsi>, %select_n3A_36, %reduce_min3A_37 [1] : vector<2048x8xi32> to vector<2048xi32>
    %broadcast_in_dim3A_39 = vector.shape_cast %reduce_min3A_38 : vector<2048xi32> to vector<2048x1xi32>
    %eq3A_40 = vector.broadcast %broadcast_in_dim3A_23 : vector<2048x1xi32> to vector<2048x8xi32>
    %eq3A_41 = arith.cmpi eq, %iota3A, %eq3A_40 : vector<2048x8xi32>
    %convert_element_type3A_42 = arith.extui %eq3A_41 : vector<2048x8xi1> to vector<2048x8xi32>
    %convert_element_type3A_43 = arith.sitofp %convert_element_type3A_42 : vector<2048x8xi32> to vector<2048x8xf32>
    %eq3A_44 = vector.broadcast %broadcast_in_dim3A_39 : vector<2048x1xi32> to vector<2048x8xi32>
    %eq3A_45 = arith.cmpi eq, %iota3A, %eq3A_44 : vector<2048x8xi32>
    %convert_element_type3A_46 = arith.extui %eq3A_45 : vector<2048x8xi1> to vector<2048x8xi32>
    %convert_element_type3A_47 = arith.sitofp %convert_element_type3A_46 : vector<2048x8xi32> to vector<2048x8xf32>
    %mul3A = arith.mulf %sqrt3A, %convert_element_type3A_43 : vector<2048x8xf32>
    %reduce_sum3A = arith.constant dense<0.000000e+00> : vector<2048xf32>
    %reduce_sum3A_48 = vector.multi_reduction <add>, %mul3A, %reduce_sum3A [1] : vector<2048x8xf32> to vector<2048xf32>
    %broadcast_in_dim3A_49 = vector.shape_cast %reduce_sum3A_48 : vector<2048xf32> to vector<2048x1xf32>
    %mul3A_50 = arith.mulf %sqrt3A, %convert_element_type3A_47 : vector<2048x8xf32>
    %reduce_sum3A_51 = arith.constant dense<0.000000e+00> : vector<2048xf32>
    %reduce_sum3A_52 = vector.multi_reduction <add>, %mul3A_50, %reduce_sum3A_51 [1] : vector<2048x8xf32> to vector<2048xf32>
    %broadcast_in_dim3A_53 = vector.shape_cast %reduce_sum3A_52 : vector<2048xf32> to vector<2048x1xf32>
    %add3A_54 = arith.addf %broadcast_in_dim3A_49, %broadcast_in_dim3A_53 : vector<2048x1xf32>
    %div3A = arith.divf %broadcast_in_dim3A_49, %add3A_54 : vector<2048x1xf32>
    %div3A_55 = arith.divf %broadcast_in_dim3A_53, %add3A_54 : vector<2048x1xf32>
    %concatenate3A = tpu.concatenate %div3A, %div3A_55 in 1 : vector<2048x1xf32>, vector<2048x1xf32> -> vector<2048x2xf32>
    %swap3A = arith.constant 0 : index
    %swap3A_56 = arith.constant 0 : index
    %swap3A_57 = vector.load %arg4[%swap3A, %swap3A_56] : memref<2048x2xf32, #tpu.memory_space<vmem>>, vector<2048x2xf32>
    tpu.vector_store %arg4[%swap3A, %swap3A_56], %concatenate3A {strides = array<i32>} : memref<2048x2xf32, #tpu.memory_space<vmem>>, vector<2048x2xf32>,
    %reshape3A = vector.shape_cast %convert_element_type3A : vector<2048x1024xbf16> to vector<4096x512xbf16>
    %bitcast3A = tpu.bitcast %reshape3A : vector<4096x512xbf16> -> vector<2048x512xi32>
    %swap3A_58 = arith.constant 0 : index
    %swap3A_59 = arith.constant 0 : index
    %swap3A_60 = vector.load %arg6[%swap3A_58, %swap3A_59] : memref<2048x512xi32, #tpu.memory_space<vmem>>, vector<2048x512xi32>
    tpu.vector_store %arg6[%swap3A_58, %swap3A_59], %bitcast3A {strides = array<i32>} : memref<2048x512xi32, #tpu.memory_space<vmem>>, vector<2048x512xi32>,
    %add3A_61 = arith.addf %convert_element_type3A_43, %convert_element_type3A_47 : vector<2048x8xf32>
    %iota3A_62 = tpu.iota {dimensions = array<i32: 0>} : vector<2048x8xi32>
    %ge3A = arith.constant 1 : i32
    %ge3A_63 = vector.broadcast %ge3A : i32 to vector<2048x8xi32>
    %ge3A_64 = arith.cmpi sge, %iota3A_62, %ge3A_63 : vector<2048x8xi32>
    %slice3A = vector.extract_strided_slice %add3A_61 {offsets = [2047, 0], sizes = [1, 8], strides = [1, 1]} : vector<2048x8xf32> to vector<1x8xf32>
    %slice3A_65 = vector.extract_strided_slice %add3A_61 {offsets = [0, 0], sizes = [2047, 8], strides = [1, 1]} : vector<2048x8xf32> to vector<2047x8xf32>
    %concatenate3A_66 = tpu.concatenate %slice3A, %slice3A_65 in 0 : vector<1x8xf32>, vector<2047x8xf32> -> vector<2048x8xf32>
    %jit3A_67 = arith.constant 0.000000e+00 : f32
    %broadcast_in_dim3A_68 = vector.broadcast %jit3A_67 : f32 to vector<2048x8xf32>
    %select_n3A_69 = arith.select %ge3A_64, %concatenate3A_66, %broadcast_in_dim3A_68 : vector<2048x8xi1>, vector<2048x8xf32>
    %add3A_70 = arith.addf %add3A_61, %select_n3A_69 : vector<2048x8xf32>
    %ge3A_71 = arith.constant 2 : i32
    %ge3A_72 = vector.broadcast %ge3A_71 : i32 to vector<2048x8xi32>
    %ge3A_73 = arith.cmpi sge, %iota3A_62, %ge3A_72 : vector<2048x8xi32>
    %slice3A_74 = vector.extract_strided_slice %add3A_70 {offsets = [2046, 0], sizes = [2, 8], strides = [1, 1]} : vector<2048x8xf32> to vector<2x8xf32>
    %slice3A_75 = vector.extract_strided_slice %add3A_70 {offsets = [0, 0], sizes = [2046, 8], strides = [1, 1]} : vector<2048x8xf32> to vector<2046x8xf32>
    %concatenate3A_76 = tpu.concatenate %slice3A_74, %slice3A_75 in 0 : vector<2x8xf32>, vector<2046x8xf32> -> vector<2048x8xf32>
    %jit3A_77 = arith.constant 0.000000e+00 : f32
    %broadcast_in_dim3A_78 = vector.broadcast %jit3A_77 : f32 to vector<2048x8xf32>
    %select_n3A_79 = arith.select %ge3A_73, %concatenate3A_76, %broadcast_in_dim3A_78 : vector<2048x8xi1>, vector<2048x8xf32>
    %add3A_80 = arith.addf %add3A_70, %select_n3A_79 : vector<2048x8xf32>
    %ge3A_81 = arith.constant 4 : i32
    %ge3A_82 = vector.broadcast %ge3A_81 : i32 to vector<2048x8xi32>
    %ge3A_83 = arith.cmpi sge, %iota3A_62, %ge3A_82 : vector<2048x8xi32>
    %slice3A_84 = vector.extract_strided_slice %add3A_80 {offsets = [2044, 0], sizes = [4, 8], strides = [1, 1]} : vector<2048x8xf32> to vector<4x8xf32>
    %slice3A_85 = vector.extract_strided_slice %add3A_80 {offsets = [0, 0], sizes = [2044, 8], strides = [1, 1]} : vector<2048x8xf32> to vector<2044x8xf32>
    %concatenate3A_86 = tpu.concatenate %slice3A_84, %slice3A_85 in 0 : vector<4x8xf32>, vector<2044x8xf32> -> vector<2048x8xf32>
    %jit3A_87 = arith.constant 0.000000e+00 : f32
    %broadcast_in_dim3A_88 = vector.broadcast %jit3A_87 : f32 to vector<2048x8xf32>
    %select_n3A_89 = arith.select %ge3A_83, %concatenate3A_86, %broadcast_in_dim3A_88 : vector<2048x8xi1>, vector<2048x8xf32>
    %add3A_90 = arith.addf %add3A_80, %select_n3A_89 : vector<2048x8xf32>
    %ge3A_91 = arith.constant 8 : i32
    %ge3A_92 = vector.broadcast %ge3A_91 : i32 to vector<2048x8xi32>
    %ge3A_93 = arith.cmpi sge, %iota3A_62, %ge3A_92 : vector<2048x8xi32>
    %slice3A_94 = vector.extract_strided_slice %add3A_90 {offsets = [2040, 0], sizes = [8, 8], strides = [1, 1]} : vector<2048x8xf32> to vector<8x8xf32>
    %slice3A_95 = vector.extract_strided_slice %add3A_90 {offsets = [0, 0], sizes = [2040, 8], strides = [1, 1]} : vector<2048x8xf32> to vector<2040x8xf32>
    %concatenate3A_96 = tpu.concatenate %slice3A_94, %slice3A_95 in 0 : vector<8x8xf32>, vector<2040x8xf32> -> vector<2048x8xf32>
    %jit3A_97 = arith.constant 0.000000e+00 : f32
    %broadcast_in_dim3A_98 = vector.broadcast %jit3A_97 : f32 to vector<2048x8xf32>
    %select_n3A_99 = arith.select %ge3A_93, %concatenate3A_96, %broadcast_in_dim3A_98 : vector<2048x8xi1>, vector<2048x8xf32>
    %add3A_100 = arith.addf %add3A_90, %select_n3A_99 : vector<2048x8xf32>
    %ge3A_101 = arith.constant 16 : i32
    %ge3A_102 = vector.broadcast %ge3A_101 : i32 to vector<2048x8xi32>
    %ge3A_103 = arith.cmpi sge, %iota3A_62, %ge3A_102 : vector<2048x8xi32>
    %slice3A_104 = vector.extract_strided_slice %add3A_100 {offsets = [2032, 0], sizes = [16, 8], strides = [1, 1]} : vector<2048x8xf32> to vector<16x8xf32>
    %slice3A_105 = vector.extract_strided_slice %add3A_100 {offsets = [0, 0], sizes = [2032, 8], strides = [1, 1]} : vector<2048x8xf32> to vector<2032x8xf32>
    %concatenate3A_106 = tpu.concatenate %slice3A_104, %slice3A_105 in 0 : vector<16x8xf32>, vector<2032x8xf32> -> vector<2048x8xf32>
    %jit3A_107 = arith.constant 0.000000e+00 : f32
    %broadcast_in_dim3A_108 = vector.broadcast %jit3A_107 : f32 to vector<2048x8xf32>
    %select_n3A_109 = arith.select %ge3A_103, %concatenate3A_106, %broadcast_in_dim3A_108 : vector<2048x8xi1>, vector<2048x8xf32>
    %add3A_110 = arith.addf %add3A_100, %select_n3A_109 : vector<2048x8xf32>
    %ge3A_111 = arith.constant 32 : i32
    %ge3A_112 = vector.broadcast %ge3A_111 : i32 to vector<2048x8xi32>
    %ge3A_113 = arith.cmpi sge, %iota3A_62, %ge3A_112 : vector<2048x8xi32>
    %slice3A_114 = vector.extract_strided_slice %add3A_110 {offsets = [2016, 0], sizes = [32, 8], strides = [1, 1]} : vector<2048x8xf32> to vector<32x8xf32>
    %slice3A_115 = vector.extract_strided_slice %add3A_110 {offsets = [0, 0], sizes = [2016, 8], strides = [1, 1]} : vector<2048x8xf32> to vector<2016x8xf32>
    %concatenate3A_116 = tpu.concatenate %slice3A_114, %slice3A_115 in 0 : vector<32x8xf32>, vector<2016x8xf32> -> vector<2048x8xf32>
    %jit3A_117 = arith.constant 0.000000e+00 : f32
    %broadcast_in_dim3A_118 = vector.broadcast %jit3A_117 : f32 to vector<2048x8xf32>
    %select_n3A_119 = arith.select %ge3A_113, %concatenate3A_116, %broadcast_in_dim3A_118 : vector<2048x8xi1>, vector<2048x8xf32>
    %add3A_120 = arith.addf %add3A_110, %select_n3A_119 : vector<2048x8xf32>
    %ge3A_121 = arith.constant 64 : i32
    %ge3A_122 = vector.broadcast %ge3A_121 : i32 to vector<2048x8xi32>
    %ge3A_123 = arith.cmpi sge, %iota3A_62, %ge3A_122 : vector<2048x8xi32>
    %slice3A_124 = vector.extract_strided_slice %add3A_120 {offsets = [1984, 0], sizes = [64, 8], strides = [1, 1]} : vector<2048x8xf32> to vector<64x8xf32>
    %slice3A_125 = vector.extract_strided_slice %add3A_120 {offsets = [0, 0], sizes = [1984, 8], strides = [1, 1]} : vector<2048x8xf32> to vector<1984x8xf32>
    %concatenate3A_126 = tpu.concatenate %slice3A_124, %slice3A_125 in 0 : vector<64x8xf32>, vector<1984x8xf32> -> vector<2048x8xf32>
    %jit3A_127 = arith.constant 0.000000e+00 : f32
    %broadcast_in_dim3A_128 = vector.broadcast %jit3A_127 : f32 to vector<2048x8xf32>
    %select_n3A_129 = arith.select %ge3A_123, %concatenate3A_126, %broadcast_in_dim3A_128 : vector<2048x8xi1>, vector<2048x8xf32>
    %add3A_130 = arith.addf %add3A_120, %select_n3A_129 : vector<2048x8xf32>
    %ge3A_131 = arith.constant 128 : i32
    %ge3A_132 = vector.broadcast %ge3A_131 : i32 to vector<2048x8xi32>
    %ge3A_133 = arith.cmpi sge, %iota3A_62, %ge3A_132 : vector<2048x8xi32>
    %slice3A_134 = vector.extract_strided_slice %add3A_130 {offsets = [1920, 0], sizes = [128, 8], strides = [1, 1]} : vector<2048x8xf32> to vector<128x8xf32>
    %slice3A_135 = vector.extract_strided_slice %add3A_130 {offsets = [0, 0], sizes = [1920, 8], strides = [1, 1]} : vector<2048x8xf32> to vector<1920x8xf32>
    %concatenate3A_136 = tpu.concatenate %slice3A_134, %slice3A_135 in 0 : vector<128x8xf32>, vector<1920x8xf32> -> vector<2048x8xf32>
    %jit3A_137 = arith.constant 0.000000e+00 : f32
    %broadcast_in_dim3A_138 = vector.broadcast %jit3A_137 : f32 to vector<2048x8xf32>
    %select_n3A_139 = arith.select %ge3A_133, %concatenate3A_136, %broadcast_in_dim3A_138 : vector<2048x8xi1>, vector<2048x8xf32>
    %add3A_140 = arith.addf %add3A_130, %select_n3A_139 : vector<2048x8xf32>
    %ge3A_141 = arith.constant 256 : i32
    %ge3A_142 = vector.broadcast %ge3A_141 : i32 to vector<2048x8xi32>
    %ge3A_143 = arith.cmpi sge, %iota3A_62, %ge3A_142 : vector<2048x8xi32>
    %slice3A_144 = vector.extract_strided_slice %add3A_140 {offsets = [1792, 0], sizes = [256, 8], strides = [1, 1]} : vector<2048x8xf32> to vector<256x8xf32>
    %slice3A_145 = vector.extract_strided_slice %add3A_140 {offsets = [0, 0], sizes = [1792, 8], strides = [1, 1]} : vector<2048x8xf32> to vector<1792x8xf32>
    %concatenate3A_146 = tpu.concatenate %slice3A_144, %slice3A_145 in 0 : vector<256x8xf32>, vector<1792x8xf32> -> vector<2048x8xf32>
    %jit3A_147 = arith.constant 0.000000e+00 : f32
    %broadcast_in_dim3A_148 = vector.broadcast %jit3A_147 : f32 to vector<2048x8xf32>
    %select_n3A_149 = arith.select %ge3A_143, %concatenate3A_146, %broadcast_in_dim3A_148 : vector<2048x8xi1>, vector<2048x8xf32>
    %add3A_150 = arith.addf %add3A_140, %select_n3A_149 : vector<2048x8xf32>
    %ge3A_151 = arith.constant 512 : i32
    %ge3A_152 = vector.broadcast %ge3A_151 : i32 to vector<2048x8xi32>
    %ge3A_153 = arith.cmpi sge, %iota3A_62, %ge3A_152 : vector<2048x8xi32>
    %slice3A_154 = vector.extract_strided_slice %add3A_150 {offsets = [1536, 0], sizes = [512, 8], strides = [1, 1]} : vector<2048x8xf32> to vector<512x8xf32>
    %slice3A_155 = vector.extract_strided_slice %add3A_150 {offsets = [0, 0], sizes = [1536, 8], strides = [1, 1]} : vector<2048x8xf32> to vector<1536x8xf32>
    %concatenate3A_156 = tpu.concatenate %slice3A_154, %slice3A_155 in 0 : vector<512x8xf32>, vector<1536x8xf32> -> vector<2048x8xf32>
    %jit3A_157 = arith.constant 0.000000e+00 : f32
    %broadcast_in_dim3A_158 = vector.broadcast %jit3A_157 : f32 to vector<2048x8xf32>
    %select_n3A_159 = arith.select %ge3A_153, %concatenate3A_156, %broadcast_in_dim3A_158 : vector<2048x8xi1>, vector<2048x8xf32>
    %add3A_160 = arith.addf %add3A_150, %select_n3A_159 : vector<2048x8xf32>
    %ge3A_161 = arith.constant 1024 : i32
    %ge3A_162 = vector.broadcast %ge3A_161 : i32 to vector<2048x8xi32>
    %ge3A_163 = arith.cmpi sge, %iota3A_62, %ge3A_162 : vector<2048x8xi32>
    %slice3A_164 = vector.extract_strided_slice %add3A_160 {offsets = [1024, 0], sizes = [1024, 8], strides = [1, 1]} : vector<2048x8xf32> to vector<1024x8xf32>
    %slice3A_165 = vector.extract_strided_slice %add3A_160 {offsets = [0, 0], sizes = [1024, 8], strides = [1, 1]} : vector<2048x8xf32> to vector<1024x8xf32>
    %concatenate3A_166 = tpu.concatenate %slice3A_164, %slice3A_165 in 0 : vector<1024x8xf32>, vector<1024x8xf32> -> vector<2048x8xf32>
    %jit3A_167 = arith.constant 0.000000e+00 : f32
    %broadcast_in_dim3A_168 = vector.broadcast %jit3A_167 : f32 to vector<2048x8xf32>
    %select_n3A_169 = arith.select %ge3A_163, %concatenate3A_166, %broadcast_in_dim3A_168 : vector<2048x8xi1>, vector<2048x8xf32>
    %add3A_170 = arith.addf %add3A_160, %select_n3A_169 : vector<2048x8xf32>
    %sub3A_171 = arith.subf %add3A_170, %add3A_61 : vector<2048x8xf32>
    %slice3A_172 = vector.extract_strided_slice %add3A_170 {offsets = [2047, 0], sizes = [1, 8], strides = [1, 1]} : vector<2048x8xf32> to vector<1x8xf32>
    %add3A_173 = arith.constant 2.550000e+02 : f32
    %add3A_174 = vector.broadcast %add3A_173 : f32 to vector<1x8xf32>
    %add3A_175 = arith.addf %slice3A_172, %add3A_174 : vector<1x8xf32>
    %mul3A_176 = arith.constant 3.906250e-03 : f32
    %mul3A_177 = vector.broadcast %mul3A_176 : f32 to vector<1x8xf32>
    %mul3A_178 = arith.mulf %add3A_175, %mul3A_177 : vector<1x8xf32>
    %floor3A = math.floor %mul3A_178 : vector<1x8xf32>
    %iota3A_179 = tpu.iota {dimensions = array<i32: 1>} : vector<1x8xi32>
    %ge3A_180 = arith.constant 1 : i32
    %ge3A_181 = vector.broadcast %ge3A_180 : i32 to vector<1x8xi32>
    %ge3A_182 = arith.cmpi sge, %iota3A_179, %ge3A_181 : vector<1x8xi32>
    %slice3A_183 = vector.extract_strided_slice %floor3A {offsets = [0, 7], sizes = [1, 1], strides = [1, 1]} : vector<1x8xf32> to vector<1x1xf32>
    %slice3A_184 = vector.extract_strided_slice %floor3A {offsets = [0, 0], sizes = [1, 7], strides = [1, 1]} : vector<1x8xf32> to vector<1x7xf32>
    %concatenate3A_185 = tpu.concatenate %slice3A_183, %slice3A_184 in 1 : vector<1x1xf32>, vector<1x7xf32> -> vector<1x8xf32>
    %jit3A_186 = arith.constant 0.000000e+00 : f32
    %broadcast_in_dim3A_187 = vector.broadcast %jit3A_186 : f32 to vector<1x8xf32>
    %select_n3A_188 = arith.select %ge3A_182, %concatenate3A_185, %broadcast_in_dim3A_187 : vector<1x8xi1>, vector<1x8xf32>
    %add3A_189 = arith.addf %floor3A, %select_n3A_188 : vector<1x8xf32>
    %ge3A_190 = arith.constant 2 : i32
    %ge3A_191 = vector.broadcast %ge3A_190 : i32 to vector<1x8xi32>
    %ge3A_192 = arith.cmpi sge, %iota3A_179, %ge3A_191 : vector<1x8xi32>
    %slice3A_193 = vector.extract_strided_slice %add3A_189 {offsets = [0, 6], sizes = [1, 2], strides = [1, 1]} : vector<1x8xf32> to vector<1x2xf32>
    %slice3A_194 = vector.extract_strided_slice %add3A_189 {offsets = [0, 0], sizes = [1, 6], strides = [1, 1]} : vector<1x8xf32> to vector<1x6xf32>
    %concatenate3A_195 = tpu.concatenate %slice3A_193, %slice3A_194 in 1 : vector<1x2xf32>, vector<1x6xf32> -> vector<1x8xf32>
    %jit3A_196 = arith.constant 0.000000e+00 : f32
    %broadcast_in_dim3A_197 = vector.broadcast %jit3A_196 : f32 to vector<1x8xf32>
    %select_n3A_198 = arith.select %ge3A_192, %concatenate3A_195, %broadcast_in_dim3A_197 : vector<1x8xi1>, vector<1x8xf32>
    %add3A_199 = arith.addf %add3A_189, %select_n3A_198 : vector<1x8xf32>
    %ge3A_200 = arith.constant 4 : i32
    %ge3A_201 = vector.broadcast %ge3A_200 : i32 to vector<1x8xi32>
    %ge3A_202 = arith.cmpi sge, %iota3A_179, %ge3A_201 : vector<1x8xi32>
    %slice3A_203 = vector.extract_strided_slice %add3A_199 {offsets = [0, 4], sizes = [1, 4], strides = [1, 1]} : vector<1x8xf32> to vector<1x4xf32>
    %slice3A_204 = vector.extract_strided_slice %add3A_199 {offsets = [0, 0], sizes = [1, 4], strides = [1, 1]} : vector<1x8xf32> to vector<1x4xf32>
    %concatenate3A_205 = tpu.concatenate %slice3A_203, %slice3A_204 in 1 : vector<1x4xf32>, vector<1x4xf32> -> vector<1x8xf32>
    %jit3A_206 = arith.constant 0.000000e+00 : f32
    %broadcast_in_dim3A_207 = vector.broadcast %jit3A_206 : f32 to vector<1x8xf32>
    %select_n3A_208 = arith.select %ge3A_202, %concatenate3A_205, %broadcast_in_dim3A_207 : vector<1x8xi1>, vector<1x8xf32>
    %add3A_209 = arith.addf %add3A_199, %select_n3A_208 : vector<1x8xf32>
    %sub3A_210 = arith.subf %add3A_209, %floor3A : vector<1x8xf32>
    %mul3A_211 = arith.constant 2.560000e+02 : f32
    %mul3A_212 = vector.broadcast %mul3A_211 : f32 to vector<1x8xf32>
    %mul3A_213 = arith.mulf %sub3A_210, %mul3A_212 : vector<1x8xf32>
    %add3A_214 = vector.broadcast %mul3A_213 : vector<1x8xf32> to vector<2048x8xf32>
    %add3A_215 = arith.addf %add3A_214, %sub3A_171 : vector<2048x8xf32>
    %mul3A_216 = arith.mulf %add3A_215, %convert_element_type3A_43 : vector<2048x8xf32>
    %reduce_sum3A_217 = arith.constant dense<0.000000e+00> : vector<2048xf32>
    %reduce_sum3A_218 = vector.multi_reduction <add>, %mul3A_216, %reduce_sum3A_217 [1] : vector<2048x8xf32> to vector<2048xf32>
    %broadcast_in_dim3A_219 = vector.shape_cast %reduce_sum3A_218 : vector<2048xf32> to vector<2048x1xf32>
    %mul3A_220 = arith.mulf %add3A_215, %convert_element_type3A_47 : vector<2048x8xf32>
    %reduce_sum3A_221 = arith.constant dense<0.000000e+00> : vector<2048xf32>
    %reduce_sum3A_222 = vector.multi_reduction <add>, %mul3A_220, %reduce_sum3A_221 [1] : vector<2048x8xf32> to vector<2048xf32>
    %broadcast_in_dim3A_223 = vector.shape_cast %reduce_sum3A_222 : vector<2048xf32> to vector<2048x1xf32>
    %concatenate3A_224 = tpu.concatenate %broadcast_in_dim3A_219, %broadcast_in_dim3A_223 in 1 : vector<2048x1xf32>, vector<2048x1xf32> -> vector<2048x2xf32>
    %convert_element_type3A_225 = arith.fptosi %concatenate3A_224 : vector<2048x2xf32> to vector<2048x2xi32>
    %swap3A_226 = arith.constant 0 : index
    %swap3A_227 = arith.constant 0 : index
    %swap3A_228 = vector.load %arg3[%swap3A_226, %swap3A_227] : memref<2048x2xi32, #tpu.memory_space<vmem>>, vector<2048x2xi32>
    tpu.vector_store %arg3[%swap3A_226, %swap3A_227], %convert_element_type3A_225 {strides = array<i32>} : memref<2048x2xi32, #tpu.memory_space<vmem>>, vector<2048x2xi32>,
    %transpose3A = tpu.transpose %sub3A_210, [1, 0] : vector<1x8xf32> -> vector<8x1xf32>
    %convert_element_type3A_229 = arith.fptosi %transpose3A : vector<8x1xf32> to vector<8x1xi32>
    %transpose3A_230 = tpu.transpose %floor3A, [1, 0] : vector<1x8xf32> -> vector<8x1xf32>
    %convert_element_type3A_231 = arith.fptosi %transpose3A_230 : vector<8x1xf32> to vector<8x1xi32>
    %iota3A_232 = tpu.iota {dimensions = array<i32: 1>} : vector<8x64xi32>
    %iota3A_233 = tpu.iota {dimensions = array<i32: 0>} : vector<8x64xi32>
    %ge3A_234 = vector.broadcast %convert_element_type3A_229 : vector<8x1xi32> to vector<8x64xi32>
    %ge3A_235 = arith.cmpi sge, %iota3A_232, %ge3A_234 : vector<8x64xi32>
    %ge3A_236 = arith.constant 1 : i32
    %ge3A_237 = vector.broadcast %ge3A_236 : i32 to vector<8x64xi32>
    %ge3A_238 = arith.cmpi sge, %iota3A_233, %ge3A_237 : vector<8x64xi32>
    %and3A = arith.andi %ge3A_235, %ge3A_238 : vector<8x64xi1>
    %jit3A_239 = arith.constant 1.000000e+00 : f32
    %jit3A_240 = arith.constant 0.000000e+00 : f32
    %broadcast_in_dim3A_241 = vector.broadcast %jit3A_239 : f32 to vector<8x64xf32>
    %broadcast_in_dim3A_242 = vector.broadcast %jit3A_240 : f32 to vector<8x64xf32>
    %select_n3A_243 = arith.select %and3A, %broadcast_in_dim3A_241, %broadcast_in_dim3A_242 : vector<8x64xi1>, vector<8x64xf32>
    %reduce_sum3A_244 = arith.constant dense<0.000000e+00> : vector<64xf32>
    %reduce_sum3A_245 = vector.multi_reduction <add>, %select_n3A_243, %reduce_sum3A_244 [0] : vector<8x64xf32> to vector<64xf32>
    %broadcast_in_dim3A_246 = vector.shape_cast %reduce_sum3A_245 : vector<64xf32> to vector<1x64xf32>
    %ge3A_247 = vector.broadcast %convert_element_type3A_229 : vector<8x1xi32> to vector<8x64xi32>
    %ge3A_248 = arith.cmpi sge, %iota3A_232, %ge3A_247 : vector<8x64xi32>
    %add3A_249 = arith.addi %convert_element_type3A_229, %convert_element_type3A_231 : vector<8x1xi32>
    %lt3A = vector.broadcast %add3A_249 : vector<8x1xi32> to vector<8x64xi32>
    %lt3A_250 = arith.cmpi slt, %iota3A_232, %lt3A : vector<8x64xi32>
    %and3A_251 = arith.andi %ge3A_248, %lt3A_250 : vector<8x64xi1>
    %jit3A_252 = arith.constant 1.000000e+00 : f32
    %jit3A_253 = arith.constant 0.000000e+00 : f32
    %broadcast_in_dim3A_254 = vector.broadcast %jit3A_252 : f32 to vector<8x64xf32>
    %broadcast_in_dim3A_255 = vector.broadcast %jit3A_253 : f32 to vector<8x64xf32>
    %select_n3A_256 = arith.select %and3A_251, %broadcast_in_dim3A_254, %broadcast_in_dim3A_255 : vector<8x64xi1>, vector<8x64xf32>
    %reduce_sum3A_257 = arith.constant dense<0.000000e+00> : vector<64xf32>
    %reduce_sum3A_258 = vector.multi_reduction <add>, %select_n3A_256, %reduce_sum3A_257 [0] : vector<8x64xf32> to vector<64xf32>
    %broadcast_in_dim3A_259 = vector.shape_cast %reduce_sum3A_258 : vector<64xf32> to vector<1x64xf32>
    %concatenate3A_260 = tpu.concatenate %broadcast_in_dim3A_246, %broadcast_in_dim3A_259 in 0 : vector<1x64xf32>, vector<1x64xf32> -> vector<2x64xf32>
    %reshape3A_261 = vector.shape_cast %concatenate3A_260 : vector<2x64xf32> to vector<1x2x64xf32>
    %broadcast_in_dim3A_262 = vector.shape_cast %reshape3A_261 : vector<1x2x64xf32> to vector<1x2x64xf32>
    %broadcast_in_dim3A_263 = vector.broadcast %broadcast_in_dim3A_262 : vector<1x2x64xf32> to vector<4x2x64xf32>
    %reshape3A_264 = vector.shape_cast %broadcast_in_dim3A_263 : vector<4x2x64xf32> to vector<8x64xf32>
    %convert_element_type3A_265 = arith.fptosi %reshape3A_264 : vector<8x64xf32> to vector<8x64xi32>
    %swap3A_266 = arith.constant 0 : index
    %swap3A_267 = arith.constant 0 : index
    %swap3A_268 = vector.load %arg5[%swap3A_266, %swap3A_267] : memref<8x64xi32, #tpu.memory_space<vmem>>, vector<8x64xi32>
    tpu.vector_store %arg5[%swap3A_266, %swap3A_267], %convert_element_type3A_265 {strides = array<i32>} : memref<8x64xi32, #tpu.memory_space<vmem>>, vector<8x64xi32>,
    return
  }
}

module attributes {stable_mosaic.version = 14 : i64} {
  func.func @_combine_kernel(%arg0: i32, %arg1: memref<256x512xi32, #tpu.memory_space<vmem>>, %arg2: memref<256x512xi32, #tpu.memory_space<vmem>>, %arg3: memref<256x2xf32, #tpu.memory_space<vmem>>, %arg4: memref<256x1024xf32, #tpu.memory_space<vmem>>, %arg5: memref<256x1024xf32, #tpu.memory_space<vmem>>) attributes {dimension_semantics = [#tpu.dimension_semantics<arbitrary>], iteration_bounds = array<i64: 8>, scalar_prefetch = 0 : i64, scratch_operands = 0 : i64, tpu.core_type = #tpu.core_type<tc>, window_params = [{transform_indices = @transform_0, window_bounds = array<i64: 256, 512>}, {transform_indices = @transform_1, window_bounds = array<i64: 256, 512>}, {transform_indices = @transform_2, window_bounds = array<i64: 256, 2>}, {transform_indices = @transform_3, window_bounds = array<i64: 256, 1024>}, {transform_indices = @transform_4, window_bounds = array<i64: 256, 1024>}]} {
    %get3A = arith.constant 0 : index
    %get3A_0 = arith.constant 0 : index
    %get3A_1 = vector.load %arg3[%get3A, %get3A_0] : memref<256x2xf32, #tpu.memory_space<vmem>>, vector<256x2xf32>
    %get3A_2 = arith.constant 0 : index
    %get3A_3 = arith.constant 0 : index
    %get3A_4 = vector.load %arg1[%get3A_2, %get3A_3] : memref<256x512xi32, #tpu.memory_space<vmem>>, vector<256x512xi32>
    %bitcast3A = tpu.bitcast %get3A_4 : vector<256x512xi32> -> vector<512x512xbf16>
    %reshape3A = vector.shape_cast %bitcast3A : vector<512x512xbf16> to vector<256x1024xbf16>
    %convert_element_type3A = arith.extf %reshape3A : vector<256x1024xbf16> to vector<256x1024xf32>
    %get3A_5 = arith.constant 0 : index
    %get3A_6 = arith.constant 0 : index
    %get3A_7 = vector.load %arg2[%get3A_5, %get3A_6] : memref<256x512xi32, #tpu.memory_space<vmem>>, vector<256x512xi32>
    %bitcast3A_8 = tpu.bitcast %get3A_7 : vector<256x512xi32> -> vector<512x512xbf16>
    %reshape3A_9 = vector.shape_cast %bitcast3A_8 : vector<512x512xbf16> to vector<256x1024xbf16>
    %convert_element_type3A_10 = arith.extf %reshape3A_9 : vector<256x1024xbf16> to vector<256x1024xf32>
    %slice3A = vector.extract_strided_slice %get3A_1 {offsets = [0, 0], sizes = [256, 1], strides = [1, 1]} : vector<256x2xf32> to vector<256x1xf32>
    %mul3A = vector.broadcast %slice3A : vector<256x1xf32> to vector<256x1024xf32>
    %mul3A_11 = arith.mulf %mul3A, %convert_element_type3A : vector<256x1024xf32>
    %slice3A_12 = vector.extract_strided_slice %get3A_1 {offsets = [0, 1], sizes = [256, 1], strides = [1, 1]} : vector<256x2xf32> to vector<256x1xf32>
    %mul3A_13 = vector.broadcast %slice3A_12 : vector<256x1xf32> to vector<256x1024xf32>
    %mul3A_14 = arith.mulf %mul3A_13, %convert_element_type3A_10 : vector<256x1024xf32>
    %add3A = arith.addf %mul3A_11, %mul3A_14 : vector<256x1024xf32>
    %get3A_15 = arith.constant 0 : index
    %get3A_16 = arith.constant 0 : index
    %get3A_17 = vector.load %arg4[%get3A_15, %get3A_16] : memref<256x1024xf32, #tpu.memory_space<vmem>>, vector<256x1024xf32>
    %add3A_18 = arith.addf %add3A, %get3A_17 : vector<256x1024xf32>
    %swap3A = arith.constant 0 : index
    %swap3A_19 = arith.constant 0 : index
    %swap3A_20 = vector.load %arg5[%swap3A, %swap3A_19] : memref<256x1024xf32, #tpu.memory_space<vmem>>, vector<256x1024xf32>
    tpu.vector_store %arg5[%swap3A, %swap3A_19], %add3A_18 {strides = array<i32>} : memref<256x1024xf32, #tpu.memory_space<vmem>>, vector<256x1024xf32>,
    return
  }
  func.func @transform_0(%arg0: i32) -> (i32, i32) {
    %c0_i32 = arith.constant 0 : i32
    %c0_i32_0 = arith.constant 0 : i32
    return %arg0, %c0_i32 : i32, i32
  }
  func.func @transform_1(%arg0: i32) -> (i32, i32) {
    %add3A = arith.constant 8 : i32
    %add3A_0 = arith.addi %arg0, %add3A : i32
    %c0_i32 = arith.constant 0 : i32
    %c0_i32_1 = arith.constant 0 : i32
    return %add3A_0, %c0_i32 : i32, i32
  }
  func.func @transform_2(%arg0: i32) -> (i32, i32) {
    %c0_i32 = arith.constant 0 : i32
    %c0_i32_0 = arith.constant 0 : i32
    return %arg0, %c0_i32 : i32, i32
  }
  func.func @transform_3(%arg0: i32) -> (i32, i32) {
    %c0_i32 = arith.constant 0 : i32
    %c0_i32_0 = arith.constant 0 : i32
    return %arg0, %c0_i32 : i32, i32
  }
  func.func @transform_4(%arg0: i32) -> (i32, i32) {
    %c0_i32 = arith.constant 0 : i32
    %c0_i32_0 = arith.constant 0 : i32
    return %arg0, %c0_i32 : i32, i32
  }
}

</mosaic_0001>

<sc_bundles>
// kernel: kernel.11.cloned.1.call-start
scs
__scs_entry_jumppad:
0x0: {  	(pc) =	sbr.rel $0x88, $3  }
0x1: {  	(tag) =	ssettag $0x0;
	lr =	simm.s32 $0x1  }
0x2: {  	[smem:$0x3F98] =	sst lr;
	_ =	strace $0xD0000000  }
0x3: {  	_ = 	snop  }
0x4: {  	_ = 	snop  }
0x5: {  	_ = 	snop  }
0x6: {  	_ = 	snop  }
0x7: {  	_ = 	snop  }
__scs_overlays_trampoline_lowered:
0x8: {  	[smem:$0x3FA7] =	sst s0  }
0x9: {  	[smem:$0x3FA8] =	sst s1  }
0xa: {  	[smem:$0x3FA9] =	sst s2  }
0xb: {  	[smem:$0x3FAA] =	sst s3  }
0xc: {  	[smem:$0x3FAB] =	sst s4  }
0xd: {  	[smem:$0x3FAC] =	sst s5  }
0xe: {  	[smem:$0x3FAD] =	sst s6  }
0xf: {  	[smem:$0x3FAE] =	sst s7  }
0x10: {  	[smem:$0x3FAF] =	sst s8  }
0x11: {  	[smem:$0x3FB0] =	sst s9;
	s0 =	simm.s32 @!p0 $0x0  }
0x12: {  	s1 =	sld [smem:$0x3F96];
	s0 =	simm.s32 @p0 $0x1  }
0x13: {  	[smem:$0x3FB1] =	sst s0;
	s0 =	simm.s32 @!p1 $0x0  }
0x14: {  	s2 =	sld [smem:$0x3F95];
	s0 =	simm.s32 @p1 $0x1  }
0x15: {  	[smem:$0x3FB2] =	sst s0;
	s0 =	simm.s32 @!p2 $0x0  }
0x16: {  	s3 =	sld [smem:$0x3FDB];
	s0 =	simm.s32 @p2 $0x1  }
0x17: {  	s4 =	simm.s32 $0x1BF5;
	[smem:$0x3FB4] =	sst s0  }
0x18: {  	s0 =	sld [smem:$0x3F97];
	_ =	swait.ge [sflag:s4], $0x0  }
0x19: {  	s7 =	sld [smem:$0x3F98]  }
0x1a: {  	s8 =	sadd.s32 $0xFFFFE003, lr  }
0x1b: {  	s9 =	sadd.s32 $0xFFFFFEF7, lr;
	s5 =	simm.s32 $0xFFFFFFFF;
	p2 =	slt.u32 s8, $0xFFFFF086  }
0x1c: {  	p1 =	slt.u32 s9, $0xF7A;
	s5 =	simm.s32 @!p2 $0x0  }
0x1d: {  	s5 =	simm.s32 @p1 $0x1;
	p0 =	seq.s32 s7, s2  }
0x1e: {  	s7 =	smul.u32 @!p0 $0xF7A, s2;
	p2 =	seq.s32 @!p0 s5, $0x0  }
0x1f: {  	s9 =	smul.u32 $0xF7A, s1;
	s8 =	simm.s32 @!p0 $0x1BF5;
	p2 =	por !p2, p0  }
0x20: {  	[sflag:s8] =	ssyncset.s32 @!p0 $0xFFFFF086;
	s6 =	sadd.s32 @!p0 s3, s7;
	s7 =	simm.s32 @!p0 $0x108  }
0x21: {  	s3 =	sadd.s32 s3, s9;
	s6 =	sadd.s32 @!p0 $0x88, s6;
	s7 =	simm.s32 @p2 $0x1082  }
0x22: {  	[simem:s7], [sflag:s8] =	dma.local @!p0 [hbm:s6], $0xF7A  }
0x23: {  	s9 =	sor.u32 $0xD0000000, s2;
	s6 =	simm.s32 $0x108;
	_ =	swait.ge @!p0 [sflag:s8], $0x0  }
0x24: {  	s3 =	sadd.s32 $0x88, s3;
	s6 =	simm.s32 @!p1 $0x1082;
	[sflag:s4] =	ssyncset.s32 $0xFFFFF086  }
0x25: {  	[simem:s6], [sflag:s4] =	dma.local [hbm:s3], $0xF7A  }
0x26: {  	[smem:$0x3F98] =	sst s1;
	(tag) =	ssettag s2;
	_ =	strace s9  }
0x27: {  	s1 =	sld [smem:$0x3FA8]  }
0x28: {  	s2 =	sld [smem:$0x3FA9]  }
0x29: {  	s4 =	sld [smem:$0x3FAB]  }
0x2a: {  	p0 =	seq.s32 s5, $0x0;
	s5 =	sld [smem:$0x3FAC]  }
0x2b: {  	s6 =	sld [smem:$0x3FAD]  }
0x2c: {  	s7 =	sld [smem:$0x3FAE]  }
0x2d: {  	s3 =	simm.s32 $0x108;
	s8 =	sld [smem:$0x3FAF]  }
0x2e: {  	s3 =	simm.s32 @!p0 $0x1082;
	s9 =	sld [smem:$0x3FB0]  }
0x2f: {  	lr =	sadd.s32 s0, s3;
	s0 =	sld [smem:$0x3FA7]  }
0x30: {  	s3 =	sld [smem:$0x3FAA]  }
0x31: {  	[smem:$0x3FB3] =	sst s10  }
0x32: {  	s10 =	sld [smem:$0x3FB1];
	_ =	sdelay $0x3  }
0x33: {  	p0 =	seq.s32 s10, $0x1;
	s10 =	sld [smem:$0x3FB3];
	_ =	sdelay $0x3  }
0x34: {  	[smem:$0x3FB3] =	sst s10  }
0x35: {  	s10 =	sld [smem:$0x3FB2];
	_ =	sdelay $0x3  }
0x36: {  	p1 =	seq.s32 s10, $0x1;
	s10 =	sld [smem:$0x3FB3];
	_ =	sdelay $0x3  }
0x37: {  	[smem:$0x3FB3] =	sst s10  }
0x38: {  	s10 =	sld [smem:$0x3FB4]  }
0x39: {  	_ = 	snop;
	(pc) =	sbr.ind lr, $3  }
0x3a: {  	_ = 	snop  }
0x3b: {  	_ = 	snop  }
0x3c: {  	p2 =	seq.s32 s10, $0x1;
	s10 =	sld [smem:$0x3FB3]  }
0x3d: {  	_ =	shalt  }
0x3e: {  	_ =	shalt  }
0x3f: {  	_ =	shalt  }
0x40: {  	_ =	shalt  }
0x41: {  	_ =	shalt  }
0x42: {  	_ =	shalt  }
0x43: {  	_ =	shalt  }
0x44: {  	_ =	shalt  }
0x45: {  	_ =	shalt  }
0x46: {  	_ =	shalt  }
0x47: {  	_ =	shalt  }
0x48: {  	_ =	shalt  }
0x49: {  	_ =	shalt  }
0x4a: {  	_ =	shalt  }
0x4b: {  	_ =	shalt  }
0x4c: {  	_ =	shalt  }
0x4d: {  	_ =	shalt  }
0x4e: {  	_ =	shalt  }
0x4f: {  	_ =	shalt  }
0x50: {  	_ =	shalt  }
0x51: {  	_ =	shalt  }
0x52: {  	_ =	shalt  }
0x53: {  	_ =	shalt  }
0x54: {  	_ =	shalt  }
0x55: {  	_ =	shalt  }
0x56: {  	_ =	shalt  }
0x57: {  	_ =	shalt  }
0x58: {  	_ =	shalt  }
0x59: {  	_ =	shalt  }
0x5a: {  	_ =	shalt  }
0x5b: {  	_ =	shalt  }
0x5c: {  	_ =	shalt  }
0x5d: {  	_ =	shalt  }
0x5e: {  	_ =	shalt  }
0x5f: {  	_ =	shalt  }
0x60: {  	_ =	shalt  }
0x61: {  	_ =	shalt  }
0x62: {  	_ =	shalt  }
0x63: {  	_ =	shalt  }
0x64: {  	_ =	shalt  }
0x65: {  	_ =	shalt  }
0x66: {  	_ =	shalt  }
0x67: {  	_ =	shalt  }
0x68: {  	_ =	shalt  }
0x69: {  	_ =	shalt  }
0x6a: {  	_ =	shalt  }
0x6b: {  	_ =	shalt  }
0x6c: {  	_ =	shalt  }
0x6d: {  	_ =	shalt  }
0x6e: {  	_ =	shalt  }
0x6f: {  	_ =	shalt  }
0x70: {  	_ =	shalt  }
0x71: {  	_ =	shalt  }
0x72: {  	_ =	shalt  }
0x73: {  	_ =	shalt  }
0x74: {  	_ =	shalt  }
0x75: {  	_ =	shalt  }
0x76: {  	_ =	shalt  }
0x77: {  	_ =	shalt  }
0x78: {  	_ =	shalt  }
0x79: {  	_ =	shalt  }
0x7a: {  	_ =	shalt  }
0x7b: {  	_ =	shalt  }
0x7c: {  	_ =	shalt  }
0x7d: {  	_ =	shalt  }
0x7e: {  	_ =	shalt  }
0x7f: {  	_ =	shalt  }
0x80: {  	_ =	shalt  }
0x81: {  	_ =	shalt  }
0x82: {  	_ =	shalt  }
0x83: {  	_ =	shalt  }
0x84: {  	_ =	shalt  }
0x85: {  	_ =	shalt  }
0x86: {  	_ =	shalt  }
0x87: {  	_ =	shalt  }
.Lfunc_end0:
.L_simem_size_0:
called_computation.1_lowered:
.L_overlay_start_0:
0x88: {  	s2 =	sld [smem:$0x3FD9]  }
0x89: {  	s3 =	sld [smem:$0x3FFE];
	_ =	sdelay $0x1  }
0x8a: {  	s1 =	srdreg.scid  }
0x8b: {  	s0 =	sand.u32 $0x1, s1  }
0x8c: {  	s17 =	sshll.u32 s0, $0xA;
	s2 =	sadd.s32 s3, s2  }
0x8d: {  	s2 =	sadd.s32 s2, s17  }
0x8e: {  	[smem:$0x3FBF] =	sst s2  }
0x8f: {  	_ = 	snop  }
0x90: {  	s2 =	sld [smem:$0x3FD0];
	(tm) =	ssettm $0x1  }
0x91: {  	s18 =	sld [smem:$0x3FFB];
	_ =	sdelay $0x3  }
0x92: {  	_ =	strace s18  }
0x93: {  	s3 =	sld [smem:$0x3FFC];
	_ =	sdelay $0x3  }
0x94: {  	_ =	strace s3  }
0x95: {  	s3 =	sld [smem:$0x3FFD];
	_ =	sdelay $0x3  }
0x96: {  	_ =	strace s3  }
0x97: {  	_ =	strace $0x8FFFFFFF  }
0x98: {  	s19 =	sld [smem:$0x3FDB];
	_ =	sdelay $0x1  }
0x99: {  	s4 =	simm.s32 $_scs_section_size  }
0x9a: {  	s5 =	simm.s32 $_size__tile_overlayer_lowered;
	s6 =	simm.s32 $_tile_overlayer_lowered  }
0x9b: {  	s22 =	simm.s32 $0x1BFF;
	s21 =	sshll.u32 s6, $0x1;
	s3 =	sadd.s32 s4, s19  }
0x9c: {  	s7 =	simm.s32 $0x0;
	s20 =	sshll.u32 s5, $0x1;
	s5 =	sadd.s32 s21, s3  }
0x9d: {  	[timem:s7], [sflag:s22] =	dma.local [hbm:s5], s20  }
0x9e: {  	_ =	swait.ge [sflag:s22], s20  }
0x9f: {  	s4 =	ssub.s32 $0x0, s20;
	[sflag:s22] =	ssyncset.done $0x0  }
0xa0: {  	[sflag:s22] =	ssyncadd.s32 s4;
	_ =	sdelay $0x1  }
0xa1: {  	s23 =	simm.s32 $0x1B8B  }
0xa2: {  	_ =	swait.ge [sflag:s23], $0x1  }
0xa3: {  	[sflag:s23] =	ssyncset.done $0x0  }
0xa4: {  	s25 =	simm.s32 $0x1B8E;
	s24 =	sld [smem:$0x3FFE];
	[sflag:s23] =	ssyncadd.s32 $0xFFFFFFFF  }
0xa5: {  	s26 =	simm.s32 $execute0_lowered;
	[smem:$0x3FD2] =	sst s25  }
0xa6: {  	s5 =	sshll.u32 s26, $0x1;
	_ =	strace $0x80000049;
	[dreg:$0x1] =	wrdreg $0xFFFFFFFF  }
0xa7: {  	s28 =	simm.s32 $_size_execute0_lowered;
	s3 =	sadd.s32 s3, s5;
	[dreg:$0x0] =	wrdreg $0x0  }
0xa8: {  	s5 =	sshll.u32 s28, $0x1;
	[dreg:$0x2] =	wrdreg s3  }
0xa9: {  	[dreg:$0x3] =	wrdreg s5  }
0xaa: {  	[dreg:$0x4] =	wrdreg $0xC0  }
0xab: {  	_ =	task [dreg:s7], $0x5FFFF  }
0xac: {  	[dreg:$0x1] =	wrdreg $0xFFFFFFFF  }
0xad: {  	[dreg:$0x0] =	wrdreg $0x60  }
0xae: {  	[dreg:$0x2] =	wrdreg s24  }
0xaf: {  	[dreg:$0x3] =	wrdreg s2  }
0xb0: {  	[dreg:$0x4] =	wrdreg $0x9  }
0xb1: {  	_ =	task.clear_ibuf [dreg:s7], $0x5FFFF;
	_ =	strace $0x90000049  }
0xb2: {  	s29 =	simm.s32 $0x9;
	_ =	strace $0x8000004B  }
0xb3: {  	_ =	swait.ge [sflag:s29], $0x1  }
0xb4: {  	[sflag:s29] =	ssyncadd.s32 $0xFFFFFFFF  }
0xb5: {  	_ =	strace $0x9000004B  }
0xb6: {  	_ =	sfence  }
0xb7: {  	s30 =	sld [smem:$0x0];
	_ =	sdelay $0x2  }
0xb8: {  	s31 =	sshll.u32 s1, $0xD;
	s1 =	sshrl.u32 s1, $0x2  }
0xb9: {  	s3 =	sand.u32 $0x4000, s31;
	s1 =	sadd.s32 s1, s30  }
0xba: {  	s0 =	sor.u32 s3, s0;
	s1 =	sshll.u32 s1, $0x11  }
0xbb: {  	s0 =	sor.u32 s1, s0  }
0xbc: {  	s0 =	sadd.s32 $0x8F2B, s0  }
0xbd: {  	[sflag:s0] =	ssyncadd.remote.s32 $0x1  }
0xbe: {  	_ =	sfence.sel $0xFFFF  }
0xbf: {  	[dreg:$0x0] =	wrdreg $0xFFFFFFFF;
	(pc) =	sbr.abs _section_cstart, $3  }
0xc0: {  	[dreg:$0x1] =	wrdreg $0xFFFFFFFF  }
0xc1: {  	_ =	task.clear_ibuf [dreg:s7], $0x2FFFF;
	_ =	strace $0x9FFFFFFF  }
0xc2: {  	(tm) =	ssettm $0x7FFFFFFF  }
0xc3: {  	_ =	shalt  }
tec
execute0_lowered:
.L_overlay_start_1:
0x0: {  	(tag) =	ssettag $0x1  }
0x1: {  	s5 =	rddreg [dreg:$0x0]  }
0x2: {  	s6 =	rddreg [dreg:$0x1]  }
0x3: {  	s0 =	rddreg [dreg:$0x2];
	s3 =	srdreg.scid  }
0x4: {  	s2 =	simm.s32 $0x0;
	s1 =	stileid.u32;
	s10 =	simm.s32 $0x2  }
0x5: {  	s11 =	simm.s32 $0x80;
	s12 =	simm.s32 $0x880;
	s13 =	simm.s32 $0x1080  }
0x6: {  	s14 =	simm.s32 $0x1880;
	s15 =	simm.s32 $0x2080;
	s16 =	simm.s32 $0x2880  }
0x7: {  	s17 =	simm.s32 $0x3080;
	s18 =	simm.s32 $0x3880;
	s19 =	simm.s32 $0x4080  }
0x8: {  	s20 =	simm.s32 $0x4880;
	s21 =	simm.s32 $0x5080;
	s22 =	simm.s32 $0x5880  }
0x9: {  	s23 =	simm.s32 $0x6080;
	s24 =	simm.s32 $0x6880;
	s25 =	simm.s32 $0x7080  }
0xa: {  	s26 =	simm.s32 $0x7880;
	s28 =	simm.s32 $0x1;
	s3 =	sand.u32 $0x1, s3  }
0xb: {  	[smem:$0x7FF] =	sst s2;
	s4 =	sshll.u32 s1, $0x7;
	s7 =	sshll.u32 s3, $0x6  }
0xc: {  	_ =	strace $0x8000004A;
	s30 =	ssub.s32 $0x2, s3;
	s4 =	sor.u32 s7, s4  }
0xd: {  	s3 =	sadd.s32 $0x1600, s5;
	s9 =	sshrl.u32 s30, $0x1;
	s8 =	sshrl.u32 s4, $0x3  }
0xe: {  	v2 =	vlaneseq.u32;
	s9 =	ssub.s32 s30, s9;
	s31 =	sshll.u32 s4, $0x6;
	s8 =	sadd.s32 s8, s5  }
0xf: {  	vm0 =	vmmov $0xffff;
	v1 =	vshrl.u32 v2, $0x3;
	s5 =	sadd.s32 $0x1700, s5;
	s6 =	sadd.s32 s6, s31;
	s9 =	smax.u32 s9, $0x1  }
0x10: {  	v0 =	vand.u32 $0x7, v2;
	v2 =	vor.u32 $0x8, v2;
	v1 =	vmul.u32 $0x8, v1;
	s4 =	sadd.s32 $0x1400, s8;
	s7 =	sadd.s32 $0x1200, s8;
	s8 =	sadd.s32 $0x20000, s6  }
.LBB2_1:
0x11: {  	[tilespmem:s2], [sflag:$0x2] =	stream.linear.gather [hbm4b:s4+s2], $0x40, $0x38;
	[tilespmem:$0x8080] =	vst v63  }
0x12: {  	_ =	swait.ge [sflag:s10], $0x40  }
0x13: {  	[sflag:s10] =	ssyncset.done $0x0  }
0x14: {  	[sflag:s10] =	ssyncadd.s32 $0xFFFFFFC0  }
0x15: {  	v3 =	vld [tilespmem:$0x0];
	_ =	sdelay $0x4  }
0x16: {  	v4 =	vshll.u32 v3, $0x2  }
0x17: {  	v3 =	vand.u32 $0x7, v3;
	v4 =	vand.u32 $0xFFFFFFE0, v4  }
0x18: {  	v3 =	vor.u32 v3, v4  }
0x19: {  	v4 =	vperm.xlane v3, v0;
	_ =	sdelay $0x1  }
0x1a: {  	v4 =	vadd.s32 v1, v4;
	_ =	sdelay $0x1  }
0x1b: {  	v3 =	vperm.xlane v3, v2;
	_ =	sdelay $0x1  }
0x1c: {  	v3 =	vadd.s32 v1, v3  }
0x1d: {  	[tilespmem:s11], [sflag:$0x1] =	stream.indirect_vreg.gather [hbm4b:s3+s2], $0x80, v4, vm0, $0xb8;
	[tilespmem:$0x8080] =	vst v63  }
0x1e: {  	_ = 	snop  }
0x1f: {  	[tilespmem:s12], [sflag:$0x1] =	stream.indirect_vreg.gather [hbm4b:s5+s2], $0x80, v4, vm0, $0xb8;
	[tilespmem:$0x8080] =	vst v63  }
0x20: {  	_ = 	snop  }
0x21: {  	[tilespmem:s13], [sflag:$0x1] =	stream.indirect_vreg.gather [hbm4b:s3+s2], $0x80, v3, vm0, $0xb8;
	[tilespmem:$0x8080] =	vst v63  }
0x22: {  	_ = 	snop  }
0x23: {  	[tilespmem:s14], [sflag:$0x1] =	stream.indirect_vreg.gather [hbm4b:s5+s2], $0x80, v3, vm0, $0xb8;
	[tilespmem:$0x8080] =	vst v63  }
0x24: {  	v3 =	vld [tilespmem:$0x10];
	_ =	sdelay $0x4  }
0x25: {  	v57 =	vshll.u32 v3, $0x2  }
0x26: {  	v3 =	vand.u32 $0x7, v3;
	v4 =	vand.u32 $0xFFFFFFE0, v57  }
0x27: {  	v3 =	vor.u32 v3, v4  }
0x28: {  	v4 =	vperm.xlane v3, v0;
	_ =	sdelay $0x1  }
0x29: {  	v4 =	vadd.s32 v1, v4;
	_ =	sdelay $0x1  }
0x2a: {  	v3 =	vperm.xlane v3, v2;
	_ =	sdelay $0x1  }
0x2b: {  	v3 =	vadd.s32 v1, v3  }
0x2c: {  	[tilespmem:s15], [sflag:$0x1] =	stream.indirect_vreg.gather [hbm4b:s3+s2], $0x80, v4, vm0, $0xb8;
	[tilespmem:$0x8080] =	vst v63  }
0x2d: {  	_ = 	snop  }
0x2e: {  	[tilespmem:s16], [sflag:$0x1] =	stream.indirect_vreg.gather [hbm4b:s5+s2], $0x80, v4, vm0, $0xb8;
	[tilespmem:$0x8080] =	vst v63  }
0x2f: {  	_ = 	snop  }
0x30: {  	[tilespmem:s17], [sflag:$0x1] =	stream.indirect_vreg.gather [hbm4b:s3+s2], $0x80, v3, vm0, $0xb8;
	[tilespmem:$0x8080] =	vst v63  }
0x31: {  	_ = 	snop  }
0x32: {  	[tilespmem:s18], [sflag:$0x1] =	stream.indirect_vreg.gather [hbm4b:s5+s2], $0x80, v3, vm0, $0xb8;
	[tilespmem:$0x8080] =	vst v63  }
0x33: {  	v3 =	vld [tilespmem:$0x20];
	_ =	sdelay $0x4  }
0x34: {  	v58 =	vshll.u32 v3, $0x2  }
0x35: {  	v3 =	vand.u32 $0x7, v3;
	v4 =	vand.u32 $0xFFFFFFE0, v58  }
0x36: {  	v3 =	vor.u32 v3, v4  }
0x37: {  	v4 =	vperm.xlane v3, v0;
	_ =	sdelay $0x1  }
0x38: {  	v4 =	vadd.s32 v1, v4;
	_ =	sdelay $0x1  }
0x39: {  	v3 =	vperm.xlane v3, v2;
	_ =	sdelay $0x1  }
0x3a: {  	v3 =	vadd.s32 v1, v3  }
0x3b: {  	[tilespmem:s19], [sflag:$0x1] =	stream.indirect_vreg.gather [hbm4b:s3+s2], $0x80, v4, vm0, $0xb8;
	[tilespmem:$0x8080] =	vst v63  }
0x3c: {  	_ = 	snop  }
0x3d: {  	[tilespmem:s20], [sflag:$0x1] =	stream.indirect_vreg.gather [hbm4b:s5+s2], $0x80, v4, vm0, $0xb8;
	[tilespmem:$0x8080] =	vst v63  }
0x3e: {  	_ = 	snop  }
0x3f: {  	[tilespmem:s21], [sflag:$0x1] =	stream.indirect_vreg.gather [hbm4b:s3+s2], $0x80, v3, vm0, $0xb8;
	[tilespmem:$0x8080] =	vst v63  }
0x40: {  	_ = 	snop  }
0x41: {  	[tilespmem:s22], [sflag:$0x1] =	stream.indirect_vreg.gather [hbm4b:s5+s2], $0x80, v3, vm0, $0xb8;
	[tilespmem:$0x8080] =	vst v63  }
0x42: {  	v3 =	vld [tilespmem:$0x30];
	_ =	sdelay $0x4  }
0x43: {  	v59 =	vshll.u32 v3, $0x2  }
0x44: {  	v3 =	vand.u32 $0x7, v3;
	v4 =	vand.u32 $0xFFFFFFE0, v59  }
0x45: {  	v3 =	vor.u32 v3, v4  }
0x46: {  	v4 =	vperm.xlane v3, v0;
	_ =	sdelay $0x1  }
0x47: {  	v4 =	vadd.s32 v1, v4;
	_ =	sdelay $0x1  }
0x48: {  	v3 =	vperm.xlane v3, v2;
	_ =	sdelay $0x1  }
0x49: {  	v3 =	vadd.s32 v1, v3  }
0x4a: {  	[tilespmem:s23], [sflag:$0x1] =	stream.indirect_vreg.gather [hbm4b:s3+s2], $0x80, v4, vm0, $0xb8;
	[tilespmem:$0x8080] =	vst v63  }
0x4b: {  	_ = 	snop  }
0x4c: {  	[tilespmem:s24], [sflag:$0x1] =	stream.indirect_vreg.gather [hbm4b:s5+s2], $0x80, v4, vm0, $0xb8;
	[tilespmem:$0x8080] =	vst v63  }
0x4d: {  	_ = 	snop  }
0x4e: {  	[tilespmem:s25], [sflag:$0x1] =	stream.indirect_vreg.gather [hbm4b:s3+s2], $0x80, v3, vm0, $0xb8;
	[tilespmem:$0x8080] =	vst v63  }
0x4f: {  	_ = 	snop  }
0x50: {  	[tilespmem:s26], [sflag:$0x1] =	stream.indirect_vreg.gather [hbm4b:s5+s2], $0x80, v3, vm0, $0xb8;
	[tilespmem:$0x8080] =	vst v63  }
0x51: {  	_ =	swait.ge [sflag:s28], $0x8000  }
0x52: {  	[sflag:s28] =	ssyncset.done $0x0  }
0x53: {  	[sflag:s28] =	ssyncadd.s32 $0xFFFF8000  }
0x54: {  	[hbm4b:s6+s2] =	stream.linear.scatter [tilespmem:s11], [sflag:$0x2], $0x8000, $0x38;
	[tilespmem:$0x8080] =	vst v63  }
0x55: {  	_ =	swait.ge [sflag:s10], $0x8000  }
0x56: {  	[sflag:s10] =	ssyncset.done $0x0  }
0x57: {  	[sflag:s10] =	ssyncadd.s32 $0xFFFF8000  }
0x58: {  	[tilespmem:s2], [sflag:$0x2] =	stream.linear.gather [hbm4b:s7+s2], $0x40, $0x38;
	[tilespmem:$0x8080] =	vst v63  }
0x59: {  	_ =	swait.ge [sflag:s10], $0x40  }
0x5a: {  	[sflag:s10] =	ssyncset.done $0x0  }
0x5b: {  	[sflag:s10] =	ssyncadd.s32 $0xFFFFFFC0  }
0x5c: {  	v3 =	vld [tilespmem:$0x0];
	_ =	sdelay $0x4  }
0x5d: {  	v60 =	vshll.u32 v3, $0x2  }
0x5e: {  	v3 =	vand.u32 $0x7, v3;
	v4 =	vand.u32 $0xFFFFFFE0, v60  }
0x5f: {  	v3 =	vor.u32 v3, v4  }
0x60: {  	v4 =	vperm.xlane v3, v0;
	_ =	sdelay $0x1  }
0x61: {  	v4 =	vadd.s32 v1, v4;
	_ =	sdelay $0x1  }
0x62: {  	v3 =	vperm.xlane v3, v2;
	_ =	sdelay $0x1  }
0x63: {  	v3 =	vadd.s32 v1, v3  }
0x64: {  	[tilespmem:s11], [sflag:$0x1] =	stream.indirect_vreg.gather [hbm4b:s3+s2], $0x80, v4, vm0, $0xb8;
	[tilespmem:$0x8080] =	vst v63  }
0x65: {  	_ = 	snop  }
0x66: {  	[tilespmem:s12], [sflag:$0x1] =	stream.indirect_vreg.gather [hbm4b:s5+s2], $0x80, v4, vm0, $0xb8;
	[tilespmem:$0x8080] =	vst v63  }
0x67: {  	_ = 	snop  }
0x68: {  	[tilespmem:s13], [sflag:$0x1] =	stream.indirect_vreg.gather [hbm4b:s3+s2], $0x80, v3, vm0, $0xb8;
	[tilespmem:$0x8080] =	vst v63  }
0x69: {  	_ = 	snop  }
0x6a: {  	[tilespmem:s14], [sflag:$0x1] =	stream.indirect_vreg.gather [hbm4b:s5+s2], $0x80, v3, vm0, $0xb8;
	[tilespmem:$0x8080] =	vst v63  }
0x6b: {  	v3 =	vld [tilespmem:$0x10];
	_ =	sdelay $0x4  }
0x6c: {  	v61 =	vshll.u32 v3, $0x2  }
0x6d: {  	v3 =	vand.u32 $0x7, v3;
	v4 =	vand.u32 $0xFFFFFFE0, v61  }
0x6e: {  	v3 =	vor.u32 v3, v4  }
0x6f: {  	v4 =	vperm.xlane v3, v0;
	_ =	sdelay $0x1  }
0x70: {  	v4 =	vadd.s32 v1, v4;
	_ =	sdelay $0x1  }
0x71: {  	v3 =	vperm.xlane v3, v2;
	_ =	sdelay $0x1  }
0x72: {  	v3 =	vadd.s32 v1, v3  }
0x73: {  	[tilespmem:s15], [sflag:$0x1] =	stream.indirect_vreg.gather [hbm4b:s3+s2], $0x80, v4, vm0, $0xb8;
	[tilespmem:$0x8080] =	vst v63  }
0x74: {  	_ = 	snop  }
0x75: {  	[tilespmem:s16], [sflag:$0x1] =	stream.indirect_vreg.gather [hbm4b:s5+s2], $0x80, v4, vm0, $0xb8;
	[tilespmem:$0x8080] =	vst v63  }
0x76: {  	_ = 	snop  }
0x77: {  	[tilespmem:s17], [sflag:$0x1] =	stream.indirect_vreg.gather [hbm4b:s3+s2], $0x80, v3, vm0, $0xb8;
	[tilespmem:$0x8080] =	vst v63  }
0x78: {  	_ = 	snop  }
0x79: {  	[tilespmem:s18], [sflag:$0x1] =	stream.indirect_vreg.gather [hbm4b:s5+s2], $0x80, v3, vm0, $0xb8;
	[tilespmem:$0x8080] =	vst v63  }
0x7a: {  	v3 =	vld [tilespmem:$0x20];
	_ =	sdelay $0x4  }
0x7b: {  	v62 =	vshll.u32 v3, $0x2  }
0x7c: {  	v3 =	vand.u32 $0x7, v3;
	v4 =	vand.u32 $0xFFFFFFE0, v62  }
0x7d: {  	v3 =	vor.u32 v3, v4  }
0x7e: {  	v4 =	vperm.xlane v3, v0;
	_ =	sdelay $0x1  }
0x7f: {  	v4 =	vadd.s32 v1, v4;
	_ =	sdelay $0x1  }
0x80: {  	v3 =	vperm.xlane v3, v2;
	_ =	sdelay $0x1  }
0x81: {  	v3 =	vadd.s32 v1, v3  }
0x82: {  	[tilespmem:s19], [sflag:$0x1] =	stream.indirect_vreg.gather [hbm4b:s3+s2], $0x80, v4, vm0, $0xb8;
	[tilespmem:$0x8080] =	vst v63  }
0x83: {  	_ = 	snop  }
0x84: {  	[tilespmem:s20], [sflag:$0x1] =	stream.indirect_vreg.gather [hbm4b:s5+s2], $0x80, v4, vm0, $0xb8;
	[tilespmem:$0x8080] =	vst v63  }
0x85: {  	_ = 	snop  }
0x86: {  	[tilespmem:s21], [sflag:$0x1] =	stream.indirect_vreg.gather [hbm4b:s3+s2], $0x80, v3, vm0, $0xb8;
	[tilespmem:$0x8080] =	vst v63  }
0x87: {  	_ = 	snop  }
0x88: {  	[tilespmem:s22], [sflag:$0x1] =	stream.indirect_vreg.gather [hbm4b:s5+s2], $0x80, v3, vm0, $0xb8;
	[tilespmem:$0x8080] =	vst v63  }
0x89: {  	v3 =	vld [tilespmem:$0x30];
	_ =	sdelay $0x4  }
0x8a: {  	v63 =	vshll.u32 v3, $0x2  }
0x8b: {  	v3 =	vand.u32 $0x7, v3;
	v4 =	vand.u32 $0xFFFFFFE0, v63  }
0x8c: {  	v3 =	vor.u32 v3, v4  }
0x8d: {  	v4 =	vperm.xlane v3, v0;
	_ =	sdelay $0x1  }
0x8e: {  	v4 =	vadd.s32 v1, v4;
	_ =	sdelay $0x1  }
0x8f: {  	v3 =	vperm.xlane v3, v2;
	_ =	sdelay $0x1  }
0x90: {  	v3 =	vadd.s32 v1, v3  }
0x91: {  	[tilespmem:s23], [sflag:$0x1] =	stream.indirect_vreg.gather [hbm4b:s3+s2], $0x80, v4, vm0, $0xb8;
	[tilespmem:$0x8080] =	vst v63  }
0x92: {  	_ = 	snop  }
0x93: {  	[tilespmem:s24], [sflag:$0x1] =	stream.indirect_vreg.gather [hbm4b:s5+s2], $0x80, v4, vm0, $0xb8;
	[tilespmem:$0x8080] =	vst v63  }
0x94: {  	_ = 	snop  }
0x95: {  	[tilespmem:s25], [sflag:$0x1] =	stream.indirect_vreg.gather [hbm4b:s3+s2], $0x80, v3, vm0, $0xb8;
	[tilespmem:$0x8080] =	vst v63  }
0x96: {  	_ = 	snop  }
0x97: {  	[tilespmem:s26], [sflag:$0x1] =	stream.indirect_vreg.gather [hbm4b:s5+s2], $0x80, v3, vm0, $0xb8;
	[tilespmem:$0x8080] =	vst v63  }
0x98: {  	_ =	swait.ge [sflag:s28], $0x8000  }
0x99: {  	p0 =	sne.s32 s9, $0x1;
	[sflag:s28] =	ssyncset.done $0x0  }
.Ltmp0:
0x9a: {  	[sflag:s28] =	ssyncadd.s32 $0xFFFF8000;
	(pc) =	sbr.rel @p0 .LBB2_1-.Ltmp0, $4  }
0x9b: {  	[hbm4b:s8+s2] =	stream.linear.scatter [tilespmem:s11], [sflag:$0x2], $0x8000, $0x38;
	[tilespmem:$0x8080] =	vst v63  }
0x9c: {  	_ =	swait.ge [sflag:s10], $0x8000  }
0x9d: {  	[sflag:s10] =	ssyncset.done $0x0  }
0x9e: {  	s9 =	sadd.s32 $0xFFFFFFFF, s9;
	[sflag:s10] =	ssyncadd.s32 $0xFFFF8000  }
0x9f: {  	_ =	sfence.sel $0x180000  }
0xa0: {  	[bflag:$0x0] =	sbarrier.arrive $0xFFFF  }
0xa1: {  	p0 =	sne.s32 s1, $0x0;
	_ =	strace $0x9000004A  }
0xa2: {  	s0 =	sadd.s32 @!p0 $0x100000, s0;
	[bflag:$0x2] =	sbarrier.arrive $0xFFFF  }
0xa3: {  	[sflag:s0] =	ssyncadd.tile.s32 @!p0 $0x1;
	_ =	shalt  }
.Lfunc_end2:
_tile_overlayer_lowered:
.L_overlay_start_2:
0xa4: {  	(tag) =	ssettag $0x2  }
0xa5: {  	s0 =	rddreg [dreg:$0x0];
	s2 =	stileid.u32  }
0xa6: {  	s1 =	rddreg [dreg:$0x1];
	p0 =	sne.s32 s2, $0x0  }
0xa7: {  	s3 =	rddreg [dreg:$0x2];
	[bflag:$0x3] =	sbarrier.arrive $0xFFFF;
	s2 =	simm.s32 @!p0 $0x1C02  }
0xa8: {  	[timem:s3], [sflag:s2] =	dma.local @!p0 [hbm:s0], s1  }
0xa9: {  	s0 =	simm.s32 @!p0 $0x2  }
0xaa: {  	_ =	swait.ge @!p0 [sflag:s0], s1  }
0xab: {  	s1 =	ssub.s32 @!p0 $0x0, s1;
	[sflag:s0] =	ssyncset.done @!p0 $0x0  }
0xac: {  	[sflag:s0] =	ssyncadd.s32 @!p0 s1  }
0xad: {  	[bflag:$0x3] =	sbarrier.arrive $0xFFFF  }
0xae: {  	_ =	shalt  }

// kernel: kernel.8.cloned.1.call-start
scs
__scs_entry_jumppad:
0x0: {  	(pc) =	sbr.rel $0x88, $3  }
0x1: {  	(tag) =	ssettag $0x0;
	lr =	simm.s32 $0x1  }
0x2: {  	[smem:$0x3F98] =	sst lr;
	_ =	strace $0xD0000000  }
0x3: {  	_ = 	snop  }
0x4: {  	_ = 	snop  }
0x5: {  	_ = 	snop  }
0x6: {  	_ = 	snop  }
0x7: {  	_ = 	snop  }
__scs_overlays_trampoline_lowered:
0x8: {  	[smem:$0x3FA7] =	sst s0  }
0x9: {  	[smem:$0x3FA8] =	sst s1  }
0xa: {  	[smem:$0x3FA9] =	sst s2  }
0xb: {  	[smem:$0x3FAA] =	sst s3  }
0xc: {  	[smem:$0x3FAB] =	sst s4  }
0xd: {  	[smem:$0x3FAC] =	sst s5  }
0xe: {  	[smem:$0x3FAD] =	sst s6  }
0xf: {  	[smem:$0x3FAE] =	sst s7  }
0x10: {  	[smem:$0x3FAF] =	sst s8  }
0x11: {  	[smem:$0x3FB0] =	sst s9;
	s0 =	simm.s32 @!p0 $0x0  }
0x12: {  	s1 =	sld [smem:$0x3F96];
	s0 =	simm.s32 @p0 $0x1  }
0x13: {  	[smem:$0x3FB1] =	sst s0;
	s0 =	simm.s32 @!p1 $0x0  }
0x14: {  	s2 =	sld [smem:$0x3F95];
	s0 =	simm.s32 @p1 $0x1  }
0x15: {  	[smem:$0x3FB2] =	sst s0;
	s0 =	simm.s32 @!p2 $0x0  }
0x16: {  	s3 =	sld [smem:$0x3FDB];
	s0 =	simm.s32 @p2 $0x1  }
0x17: {  	s4 =	simm.s32 $0x1BF5;
	[smem:$0x3FB4] =	sst s0  }
0x18: {  	s0 =	sld [smem:$0x3F97];
	_ =	swait.ge [sflag:s4], $0x0  }
0x19: {  	s7 =	sld [smem:$0x3F98]  }
0x1a: {  	s8 =	sadd.s32 $0xFFFFE003, lr  }
0x1b: {  	s9 =	sadd.s32 $0xFFFFFEF7, lr;
	s5 =	simm.s32 $0xFFFFFFFF;
	p2 =	slt.u32 s8, $0xFFFFF086  }
0x1c: {  	p1 =	slt.u32 s9, $0xF7A;
	s5 =	simm.s32 @!p2 $0x0  }
0x1d: {  	s5 =	simm.s32 @p1 $0x1;
	p0 =	seq.s32 s7, s2  }
0x1e: {  	s7 =	smul.u32 @!p0 $0xF7A, s2;
	p2 =	seq.s32 @!p0 s5, $0x0  }
0x1f: {  	s9 =	smul.u32 $0xF7A, s1;
	s8 =	simm.s32 @!p0 $0x1BF5;
	p2 =	por !p2, p0  }
0x20: {  	[sflag:s8] =	ssyncset.s32 @!p0 $0xFFFFF086;
	s6 =	sadd.s32 @!p0 s3, s7;
	s7 =	simm.s32 @!p0 $0x108  }
0x21: {  	s3 =	sadd.s32 s3, s9;
	s6 =	sadd.s32 @!p0 $0x88, s6;
	s7 =	simm.s32 @p2 $0x1082  }
0x22: {  	[simem:s7], [sflag:s8] =	dma.local @!p0 [hbm:s6], $0xF7A  }
0x23: {  	s9 =	sor.u32 $0xD0000000, s2;
	s6 =	simm.s32 $0x108;
	_ =	swait.ge @!p0 [sflag:s8], $0x0  }
0x24: {  	s3 =	sadd.s32 $0x88, s3;
	s6 =	simm.s32 @!p1 $0x1082;
	[sflag:s4] =	ssyncset.s32 $0xFFFFF086  }
0x25: {  	[simem:s6], [sflag:s4] =	dma.local [hbm:s3], $0xF7A  }
0x26: {  	[smem:$0x3F98] =	sst s1;
	(tag) =	ssettag s2;
	_ =	strace s9  }
0x27: {  	s1 =	sld [smem:$0x3FA8]  }
0x28: {  	s2 =	sld [smem:$0x3FA9]  }
0x29: {  	s4 =	sld [smem:$0x3FAB]  }
0x2a: {  	p0 =	seq.s32 s5, $0x0;
	s5 =	sld [smem:$0x3FAC]  }
0x2b: {  	s6 =	sld [smem:$0x3FAD]  }
0x2c: {  	s7 =	sld [smem:$0x3FAE]  }
0x2d: {  	s3 =	simm.s32 $0x108;
	s8 =	sld [smem:$0x3FAF]  }
0x2e: {  	s3 =	simm.s32 @!p0 $0x1082;
	s9 =	sld [smem:$0x3FB0]  }
0x2f: {  	lr =	sadd.s32 s0, s3;
	s0 =	sld [smem:$0x3FA7]  }
0x30: {  	s3 =	sld [smem:$0x3FAA]  }
0x31: {  	[smem:$0x3FB3] =	sst s10  }
0x32: {  	s10 =	sld [smem:$0x3FB1];
	_ =	sdelay $0x3  }
0x33: {  	p0 =	seq.s32 s10, $0x1;
	s10 =	sld [smem:$0x3FB3];
	_ =	sdelay $0x3  }
0x34: {  	[smem:$0x3FB3] =	sst s10  }
0x35: {  	s10 =	sld [smem:$0x3FB2];
	_ =	sdelay $0x3  }
0x36: {  	p1 =	seq.s32 s10, $0x1;
	s10 =	sld [smem:$0x3FB3];
	_ =	sdelay $0x3  }
0x37: {  	[smem:$0x3FB3] =	sst s10  }
0x38: {  	s10 =	sld [smem:$0x3FB4]  }
0x39: {  	_ = 	snop;
	(pc) =	sbr.ind lr, $3  }
0x3a: {  	_ = 	snop  }
0x3b: {  	_ = 	snop  }
0x3c: {  	p2 =	seq.s32 s10, $0x1;
	s10 =	sld [smem:$0x3FB3]  }
0x3d: {  	_ =	shalt  }
0x3e: {  	_ =	shalt  }
0x3f: {  	_ =	shalt  }
0x40: {  	_ =	shalt  }
0x41: {  	_ =	shalt  }
0x42: {  	_ =	shalt  }
0x43: {  	_ =	shalt  }
0x44: {  	_ =	shalt  }
0x45: {  	_ =	shalt  }
0x46: {  	_ =	shalt  }
0x47: {  	_ =	shalt  }
0x48: {  	_ =	shalt  }
0x49: {  	_ =	shalt  }
0x4a: {  	_ =	shalt  }
0x4b: {  	_ =	shalt  }
0x4c: {  	_ =	shalt  }
0x4d: {  	_ =	shalt  }
0x4e: {  	_ =	shalt  }
0x4f: {  	_ =	shalt  }
0x50: {  	_ =	shalt  }
0x51: {  	_ =	shalt  }
0x52: {  	_ =	shalt  }
0x53: {  	_ =	shalt  }
0x54: {  	_ =	shalt  }
0x55: {  	_ =	shalt  }
0x56: {  	_ =	shalt  }
0x57: {  	_ =	shalt  }
0x58: {  	_ =	shalt  }
0x59: {  	_ =	shalt  }
0x5a: {  	_ =	shalt  }
0x5b: {  	_ =	shalt  }
0x5c: {  	_ =	shalt  }
0x5d: {  	_ =	shalt  }
0x5e: {  	_ =	shalt  }
0x5f: {  	_ =	shalt  }
0x60: {  	_ =	shalt  }
0x61: {  	_ =	shalt  }
0x62: {  	_ =	shalt  }
0x63: {  	_ =	shalt  }
0x64: {  	_ =	shalt  }
0x65: {  	_ =	shalt  }
0x66: {  	_ =	shalt  }
0x67: {  	_ =	shalt  }
0x68: {  	_ =	shalt  }
0x69: {  	_ =	shalt  }
0x6a: {  	_ =	shalt  }
0x6b: {  	_ =	shalt  }
0x6c: {  	_ =	shalt  }
0x6d: {  	_ =	shalt  }
0x6e: {  	_ =	shalt  }
0x6f: {  	_ =	shalt  }
0x70: {  	_ =	shalt  }
0x71: {  	_ =	shalt  }
0x72: {  	_ =	shalt  }
0x73: {  	_ =	shalt  }
0x74: {  	_ =	shalt  }
0x75: {  	_ =	shalt  }
0x76: {  	_ =	shalt  }
0x77: {  	_ =	shalt  }
0x78: {  	_ =	shalt  }
0x79: {  	_ =	shalt  }
0x7a: {  	_ =	shalt  }
0x7b: {  	_ =	shalt  }
0x7c: {  	_ =	shalt  }
0x7d: {  	_ =	shalt  }
0x7e: {  	_ =	shalt  }
0x7f: {  	_ =	shalt  }
0x80: {  	_ =	shalt  }
0x81: {  	_ =	shalt  }
0x82: {  	_ =	shalt  }
0x83: {  	_ =	shalt  }
0x84: {  	_ =	shalt  }
0x85: {  	_ =	shalt  }
0x86: {  	_ =	shalt  }
0x87: {  	_ =	shalt  }
.Lfunc_end0:
.L_simem_size_0:
called_computation_lowered:
.L_overlay_start_0:
0x88: {  	s2 =	sld [smem:$0x3FD9]  }
0x89: {  	s3 =	sld [smem:$0x3FFE];
	_ =	sdelay $0x1  }
0x8a: {  	s1 =	srdreg.scid  }
0x8b: {  	s0 =	sand.u32 $0x1, s1  }
0x8c: {  	s17 =	sshll.u32 s0, $0xA;
	s2 =	sadd.s32 s3, s2  }
0x8d: {  	s2 =	sadd.s32 s2, s17  }
0x8e: {  	[smem:$0x3FBF] =	sst s2  }
0x8f: {  	_ = 	snop  }
0x90: {  	s2 =	sld [smem:$0x3FD0];
	(tm) =	ssettm $0x1  }
0x91: {  	s18 =	sld [smem:$0x3FFB];
	_ =	sdelay $0x3  }
0x92: {  	_ =	strace s18  }
0x93: {  	s3 =	sld [smem:$0x3FFC];
	_ =	sdelay $0x3  }
0x94: {  	_ =	strace s3  }
0x95: {  	s3 =	sld [smem:$0x3FFD];
	_ =	sdelay $0x3  }
0x96: {  	_ =	strace s3  }
0x97: {  	_ =	strace $0x8FFFFFFF  }
0x98: {  	s19 =	sld [smem:$0x3FDB];
	_ =	sdelay $0x1  }
0x99: {  	s4 =	simm.s32 $_scs_section_size  }
0x9a: {  	s5 =	simm.s32 $_size__tile_overlayer_lowered;
	s6 =	simm.s32 $_tile_overlayer_lowered  }
0x9b: {  	s22 =	simm.s32 $0x1BFF;
	s21 =	sshll.u32 s6, $0x1;
	s3 =	sadd.s32 s4, s19  }
0x9c: {  	s7 =	simm.s32 $0x0;
	s20 =	sshll.u32 s5, $0x1;
	s5 =	sadd.s32 s21, s3  }
0x9d: {  	[timem:s7], [sflag:s22] =	dma.local [hbm:s5], s20  }
0x9e: {  	_ =	swait.ge [sflag:s22], s20  }
0x9f: {  	s4 =	ssub.s32 $0x0, s20;
	[sflag:s22] =	ssyncset.done $0x0  }
0xa0: {  	[sflag:s22] =	ssyncadd.s32 s4;
	_ =	sdelay $0x1  }
0xa1: {  	s23 =	simm.s32 $0x1B8B  }
0xa2: {  	_ =	swait.ge [sflag:s23], $0x1  }
0xa3: {  	[sflag:s23] =	ssyncset.done $0x0  }
0xa4: {  	s25 =	simm.s32 $0x1B8E;
	s24 =	sld [smem:$0x3FFE];
	[sflag:s23] =	ssyncadd.s32 $0xFFFFFFFF  }
0xa5: {  	s26 =	simm.s32 $execute0_lowered;
	[smem:$0x3FD2] =	sst s25  }
0xa6: {  	s5 =	sshll.u32 s26, $0x1;
	_ =	strace $0x80000046;
	[dreg:$0x1] =	wrdreg $0xFFFFFFFF  }
0xa7: {  	s28 =	simm.s32 $_size_execute0_lowered;
	s3 =	sadd.s32 s3, s5;
	[dreg:$0x0] =	wrdreg $0x0  }
0xa8: {  	s5 =	sshll.u32 s28, $0x1;
	[dreg:$0x2] =	wrdreg s3  }
0xa9: {  	[dreg:$0x3] =	wrdreg s5  }
0xaa: {  	[dreg:$0x4] =	wrdreg $0xC0  }
0xab: {  	_ =	task [dreg:s7], $0x5FFFF  }
0xac: {  	[dreg:$0x1] =	wrdreg $0xFFFFFFFF  }
0xad: {  	[dreg:$0x0] =	wrdreg $0x60  }
0xae: {  	[dreg:$0x2] =	wrdreg s2  }
0xaf: {  	[dreg:$0x3] =	wrdreg s24  }
0xb0: {  	[dreg:$0x4] =	wrdreg $0x9  }
0xb1: {  	_ =	task.clear_ibuf [dreg:s7], $0x5FFFF;
	_ =	strace $0x90000046  }
0xb2: {  	s29 =	simm.s32 $0x9;
	_ =	strace $0x80000048  }
0xb3: {  	_ =	swait.ge [sflag:s29], $0x1  }
0xb4: {  	[sflag:s29] =	ssyncadd.s32 $0xFFFFFFFF  }
0xb5: {  	_ =	strace $0x90000048  }
0xb6: {  	_ =	sfence  }
0xb7: {  	s30 =	sld [smem:$0x0];
	_ =	sdelay $0x2  }
0xb8: {  	s31 =	sshll.u32 s1, $0xD;
	s1 =	sshrl.u32 s1, $0x2  }
0xb9: {  	s3 =	sand.u32 $0x4000, s31;
	s1 =	sadd.s32 s1, s30  }
0xba: {  	s0 =	sor.u32 s3, s0;
	s1 =	sshll.u32 s1, $0x11  }
0xbb: {  	s0 =	sor.u32 s1, s0  }
0xbc: {  	s0 =	sadd.s32 $0x8F2B, s0  }
0xbd: {  	[sflag:s0] =	ssyncadd.remote.s32 $0x1  }
0xbe: {  	_ =	sfence.sel $0xFFFF  }
0xbf: {  	[dreg:$0x0] =	wrdreg $0xFFFFFFFF;
	(pc) =	sbr.abs _section_cstart, $3  }
0xc0: {  	[dreg:$0x1] =	wrdreg $0xFFFFFFFF  }
0xc1: {  	_ =	task.clear_ibuf [dreg:s7], $0x2FFFF;
	_ =	strace $0x9FFFFFFF  }
0xc2: {  	(tm) =	ssettm $0x7FFFFFFF  }
0xc3: {  	_ =	shalt  }
tec
execute0_lowered:
.L_overlay_start_1:
0x0: {  	(tag) =	ssettag $0x1  }
0x1: {  	s6 =	rddreg [dreg:$0x0]  }
0x2: {  	s7 =	rddreg [dreg:$0x1];
	s2 =	srdreg.scid  }
0x3: {  	s0 =	rddreg [dreg:$0x2];
	s1 =	stileid.u32  }
0x4: {  	s11 =	simm.s32 $0x1;
	s12 =	simm.s32 $0x2;
	s13 =	simm.s32 $0x3  }
0x5: {  	s14 =	simm.s32 $0x900;
	s15 =	simm.s32 $0x1100;
	s16 =	simm.s32 $0x1900  }
0x6: {  	s17 =	simm.s32 $0x2100;
	s18 =	simm.s32 $0x2900;
	s19 =	simm.s32 $0x3100  }
0x7: {  	s20 =	simm.s32 $0x3900;
	s21 =	simm.s32 $0x4100;
	s22 =	simm.s32 $0x4900  }
0x8: {  	s23 =	simm.s32 $0x5100;
	s24 =	simm.s32 $0x5900;
	s25 =	simm.s32 $0x6100  }
0x9: {  	s26 =	simm.s32 $0x6900;
	s28 =	simm.s32 $0x7100;
	s29 =	simm.s32 $0x7900  }
0xa: {  	s3 =	sand.u32 $0x1, s2;
	s2 =	simm.s32 $0x0;
	s4 =	sshll.u32 s1, $0x7  }
0xb: {  	s5 =	sshll.u32 s3, $0x6;
	[smem:$0x7FF] =	sst s2;
	s8 =	ssub.s32 $0x2, s3  }
0xc: {  	s3 =	sadd.s32 $0x1600, s7;
	s5 =	sor.u32 s5, s4;
	_ =	strace $0x80000047  }
0xd: {  	s31 =	sshrl.u32 s8, $0x1;
	s4 =	sshrl.u32 s5, $0x3;
	s10 =	sshll.u32 s5, $0x6  }
0xe: {  	v2 =	vlaneseq.u32;
	s8 =	ssub.s32 s8, s31;
	s9 =	sadd.s32 s4, s7;
	s6 =	sadd.s32 s6, s10  }
0xf: {  	vm0 =	vmmov $0xffff;
	v1 =	vshrl.u32 v2, $0x3;
	s7 =	sadd.s32 $0x1700, s7;
	s8 =	smax.u32 s8, $0x1;
	s10 =	simm.s32 $0x100  }
0x10: {  	v0 =	vand.u32 $0x7, v2;
	v2 =	vor.u32 $0x8, v2;
	v1 =	vmul.u32 $0x8, v1;
	s4 =	sadd.s32 $0x1400, s9;
	s5 =	sadd.s32 $0x1200, s9;
	s9 =	simm.s32 $0x80  }
.LBB2_1:
0x11: {  	[tilespmem:s2], [sflag:$0x1] =	stream.linear.gather [hbm4b:s4+s2], $0x40, $0x38;
	[tilespmem:$0x8100] =	vst v63  }
0x12: {  	_ = 	snop  }
0x13: {  	[tilespmem:s9], [sflag:$0x2] =	stream.linear.gather [hbm4b:s5+s2], $0x40, $0x38;
	[tilespmem:$0x8100] =	vst v63  }
0x14: {  	_ = 	snop  }
0x15: {  	[tilespmem:s10], [sflag:$0x3] =	stream.linear.gather [hbm4b:s6+s2], $0x8000, $0x38;
	[tilespmem:$0x8100] =	vst v63  }
0x16: {  	_ =	swait.ge [sflag:s11], $0x40  }
0x17: {  	[sflag:s11] =	ssyncset.done $0x0  }
0x18: {  	[sflag:s11] =	ssyncadd.s32 $0xFFFFFFC0  }
0x19: {  	_ =	swait.ge [sflag:s12], $0x40  }
0x1a: {  	[sflag:s12] =	ssyncset.done $0x0  }
0x1b: {  	[sflag:s12] =	ssyncadd.s32 $0xFFFFFFC0  }
0x1c: {  	_ =	swait.ge [sflag:s13], $0x8000  }
0x1d: {  	[sflag:s13] =	ssyncset.done $0x0  }
0x1e: {  	[sflag:s13] =	ssyncadd.s32 $0xFFFF8000  }
0x1f: {  	v3 =	vld [tilespmem:$0x0];
	_ =	sdelay $0x4  }
0x20: {  	v4 =	vshll.u32 v3, $0x2  }
0x21: {  	v3 =	vand.u32 $0x7, v3;
	v4 =	vand.u32 $0xFFFFFFE0, v4  }
0x22: {  	v3 =	vor.u32 v3, v4  }
0x23: {  	v4 =	vperm.xlane v3, v0;
	_ =	sdelay $0x1  }
0x24: {  	v4 =	vadd.s32 v1, v4;
	_ =	sdelay $0x1  }
0x25: {  	v3 =	vperm.xlane v3, v2;
	_ =	sdelay $0x1  }
0x26: {  	v3 =	vadd.s32 v1, v3  }
0x27: {  	[hbm4b:s3+s2] =	stream.indirect_vreg.scatter [tilespmem:s10], [sflag:$0x1], $0x80, v4, vm0, $0xb8;
	[tilespmem:$0x8100] =	vst v63  }
0x28: {  	_ = 	snop  }
0x29: {  	[hbm4b:s7+s2] =	stream.indirect_vreg.scatter [tilespmem:s14], [sflag:$0x1], $0x80, v4, vm0, $0xb8;
	[tilespmem:$0x8100] =	vst v63  }
0x2a: {  	_ = 	snop  }
0x2b: {  	[hbm4b:s3+s2] =	stream.indirect_vreg.scatter [tilespmem:s15], [sflag:$0x1], $0x80, v3, vm0, $0xb8;
	[tilespmem:$0x8100] =	vst v63  }
0x2c: {  	_ = 	snop  }
0x2d: {  	[hbm4b:s7+s2] =	stream.indirect_vreg.scatter [tilespmem:s16], [sflag:$0x1], $0x80, v3, vm0, $0xb8;
	[tilespmem:$0x8100] =	vst v63  }
0x2e: {  	v3 =	vld [tilespmem:$0x10];
	_ =	sdelay $0x4  }
0x2f: {  	v57 =	vshll.u32 v3, $0x2  }
0x30: {  	v3 =	vand.u32 $0x7, v3;
	v4 =	vand.u32 $0xFFFFFFE0, v57  }
0x31: {  	v3 =	vor.u32 v3, v4  }
0x32: {  	v4 =	vperm.xlane v3, v0;
	_ =	sdelay $0x1  }
0x33: {  	v4 =	vadd.s32 v1, v4;
	_ =	sdelay $0x1  }
0x34: {  	v3 =	vperm.xlane v3, v2;
	_ =	sdelay $0x1  }
0x35: {  	v3 =	vadd.s32 v1, v3  }
0x36: {  	[hbm4b:s3+s2] =	stream.indirect_vreg.scatter [tilespmem:s17], [sflag:$0x1], $0x80, v4, vm0, $0xb8;
	[tilespmem:$0x8100] =	vst v63  }
0x37: {  	_ = 	snop  }
0x38: {  	[hbm4b:s7+s2] =	stream.indirect_vreg.scatter [tilespmem:s18], [sflag:$0x1], $0x80, v4, vm0, $0xb8;
	[tilespmem:$0x8100] =	vst v63  }
0x39: {  	_ = 	snop  }
0x3a: {  	[hbm4b:s3+s2] =	stream.indirect_vreg.scatter [tilespmem:s19], [sflag:$0x1], $0x80, v3, vm0, $0xb8;
	[tilespmem:$0x8100] =	vst v63  }
0x3b: {  	_ = 	snop  }
0x3c: {  	[hbm4b:s7+s2] =	stream.indirect_vreg.scatter [tilespmem:s20], [sflag:$0x1], $0x80, v3, vm0, $0xb8;
	[tilespmem:$0x8100] =	vst v63  }
0x3d: {  	v3 =	vld [tilespmem:$0x20];
	_ =	sdelay $0x4  }
0x3e: {  	v58 =	vshll.u32 v3, $0x2  }
0x3f: {  	v3 =	vand.u32 $0x7, v3;
	v4 =	vand.u32 $0xFFFFFFE0, v58  }
0x40: {  	v3 =	vor.u32 v3, v4  }
0x41: {  	v4 =	vperm.xlane v3, v0;
	_ =	sdelay $0x1  }
0x42: {  	v4 =	vadd.s32 v1, v4;
	_ =	sdelay $0x1  }
0x43: {  	v3 =	vperm.xlane v3, v2;
	_ =	sdelay $0x1  }
0x44: {  	v3 =	vadd.s32 v1, v3  }
0x45: {  	[hbm4b:s3+s2] =	stream.indirect_vreg.scatter [tilespmem:s21], [sflag:$0x1], $0x80, v4, vm0, $0xb8;
	[tilespmem:$0x8100] =	vst v63  }
0x46: {  	_ = 	snop  }
0x47: {  	[hbm4b:s7+s2] =	stream.indirect_vreg.scatter [tilespmem:s22], [sflag:$0x1], $0x80, v4, vm0, $0xb8;
	[tilespmem:$0x8100] =	vst v63  }
0x48: {  	_ = 	snop  }
0x49: {  	[hbm4b:s3+s2] =	stream.indirect_vreg.scatter [tilespmem:s23], [sflag:$0x1], $0x80, v3, vm0, $0xb8;
	[tilespmem:$0x8100] =	vst v63  }
0x4a: {  	_ = 	snop  }
0x4b: {  	[hbm4b:s7+s2] =	stream.indirect_vreg.scatter [tilespmem:s24], [sflag:$0x1], $0x80, v3, vm0, $0xb8;
	[tilespmem:$0x8100] =	vst v63  }
0x4c: {  	v3 =	vld [tilespmem:$0x30];
	_ =	sdelay $0x4  }
0x4d: {  	v59 =	vshll.u32 v3, $0x2  }
0x4e: {  	v3 =	vand.u32 $0x7, v3;
	v4 =	vand.u32 $0xFFFFFFE0, v59  }
0x4f: {  	v3 =	vor.u32 v3, v4  }
0x50: {  	v4 =	vperm.xlane v3, v0;
	_ =	sdelay $0x1  }
0x51: {  	v4 =	vadd.s32 v1, v4;
	_ =	sdelay $0x1  }
0x52: {  	v3 =	vperm.xlane v3, v2;
	_ =	sdelay $0x1  }
0x53: {  	v3 =	vadd.s32 v1, v3  }
0x54: {  	[hbm4b:s3+s2] =	stream.indirect_vreg.scatter [tilespmem:s25], [sflag:$0x1], $0x80, v4, vm0, $0xb8;
	[tilespmem:$0x8100] =	vst v63  }
0x55: {  	_ = 	snop  }
0x56: {  	[hbm4b:s7+s2] =	stream.indirect_vreg.scatter [tilespmem:s26], [sflag:$0x1], $0x80, v4, vm0, $0xb8;
	[tilespmem:$0x8100] =	vst v63  }
0x57: {  	_ = 	snop  }
0x58: {  	[hbm4b:s3+s2] =	stream.indirect_vreg.scatter [tilespmem:s28], [sflag:$0x1], $0x80, v3, vm0, $0xb8;
	[tilespmem:$0x8100] =	vst v63  }
0x59: {  	_ = 	snop  }
0x5a: {  	[hbm4b:s7+s2] =	stream.indirect_vreg.scatter [tilespmem:s29], [sflag:$0x1], $0x80, v3, vm0, $0xb8;
	[tilespmem:$0x8100] =	vst v63  }
0x5b: {  	v3 =	vld [tilespmem:$0x80];
	_ =	sdelay $0x4  }
0x5c: {  	v60 =	vshll.u32 v3, $0x2  }
0x5d: {  	v3 =	vand.u32 $0x7, v3;
	v4 =	vand.u32 $0xFFFFFFE0, v60  }
0x5e: {  	v3 =	vor.u32 v3, v4  }
0x5f: {  	v4 =	vperm.xlane v3, v0;
	_ =	sdelay $0x1  }
0x60: {  	v4 =	vadd.s32 v1, v4;
	_ =	sdelay $0x1  }
0x61: {  	v3 =	vperm.xlane v3, v2;
	_ =	sdelay $0x1  }
0x62: {  	v3 =	vadd.s32 v1, v3  }
0x63: {  	[hbm4b:s3+s2] =	stream.indirect_vreg.scatter [tilespmem:s10], [sflag:$0x2], $0x80, v4, vm0, $0xb8;
	[tilespmem:$0x8100] =	vst v63  }
0x64: {  	_ = 	snop  }
0x65: {  	[hbm4b:s7+s2] =	stream.indirect_vreg.scatter [tilespmem:s14], [sflag:$0x2], $0x80, v4, vm0, $0xb8;
	[tilespmem:$0x8100] =	vst v63  }
0x66: {  	_ = 	snop  }
0x67: {  	[hbm4b:s3+s2] =	stream.indirect_vreg.scatter [tilespmem:s15], [sflag:$0x2], $0x80, v3, vm0, $0xb8;
	[tilespmem:$0x8100] =	vst v63  }
0x68: {  	_ = 	snop  }
0x69: {  	[hbm4b:s7+s2] =	stream.indirect_vreg.scatter [tilespmem:s16], [sflag:$0x2], $0x80, v3, vm0, $0xb8;
	[tilespmem:$0x8100] =	vst v63  }
0x6a: {  	v3 =	vld [tilespmem:$0x90];
	_ =	sdelay $0x4  }
0x6b: {  	v61 =	vshll.u32 v3, $0x2  }
0x6c: {  	v3 =	vand.u32 $0x7, v3;
	v4 =	vand.u32 $0xFFFFFFE0, v61  }
0x6d: {  	v3 =	vor.u32 v3, v4  }
0x6e: {  	v4 =	vperm.xlane v3, v0;
	_ =	sdelay $0x1  }
0x6f: {  	v4 =	vadd.s32 v1, v4;
	_ =	sdelay $0x1  }
0x70: {  	v3 =	vperm.xlane v3, v2;
	_ =	sdelay $0x1  }
0x71: {  	v3 =	vadd.s32 v1, v3  }
0x72: {  	[hbm4b:s3+s2] =	stream.indirect_vreg.scatter [tilespmem:s17], [sflag:$0x2], $0x80, v4, vm0, $0xb8;
	[tilespmem:$0x8100] =	vst v63  }
0x73: {  	_ = 	snop  }
0x74: {  	[hbm4b:s7+s2] =	stream.indirect_vreg.scatter [tilespmem:s18], [sflag:$0x2], $0x80, v4, vm0, $0xb8;
	[tilespmem:$0x8100] =	vst v63  }
0x75: {  	_ = 	snop  }
0x76: {  	[hbm4b:s3+s2] =	stream.indirect_vreg.scatter [tilespmem:s19], [sflag:$0x2], $0x80, v3, vm0, $0xb8;
	[tilespmem:$0x8100] =	vst v63  }
0x77: {  	_ = 	snop  }
0x78: {  	[hbm4b:s7+s2] =	stream.indirect_vreg.scatter [tilespmem:s20], [sflag:$0x2], $0x80, v3, vm0, $0xb8;
	[tilespmem:$0x8100] =	vst v63  }
0x79: {  	v3 =	vld [tilespmem:$0xA0];
	_ =	sdelay $0x4  }
0x7a: {  	v62 =	vshll.u32 v3, $0x2  }
0x7b: {  	v3 =	vand.u32 $0x7, v3;
	v4 =	vand.u32 $0xFFFFFFE0, v62  }
0x7c: {  	v3 =	vor.u32 v3, v4  }
0x7d: {  	v4 =	vperm.xlane v3, v0;
	_ =	sdelay $0x1  }
0x7e: {  	v4 =	vadd.s32 v1, v4;
	_ =	sdelay $0x1  }
0x7f: {  	v3 =	vperm.xlane v3, v2;
	_ =	sdelay $0x1  }
0x80: {  	v3 =	vadd.s32 v1, v3  }
0x81: {  	[hbm4b:s3+s2] =	stream.indirect_vreg.scatter [tilespmem:s21], [sflag:$0x2], $0x80, v4, vm0, $0xb8;
	[tilespmem:$0x8100] =	vst v63  }
0x82: {  	_ = 	snop  }
0x83: {  	[hbm4b:s7+s2] =	stream.indirect_vreg.scatter [tilespmem:s22], [sflag:$0x2], $0x80, v4, vm0, $0xb8;
	[tilespmem:$0x8100] =	vst v63  }
0x84: {  	_ = 	snop  }
0x85: {  	[hbm4b:s3+s2] =	stream.indirect_vreg.scatter [tilespmem:s23], [sflag:$0x2], $0x80, v3, vm0, $0xb8;
	[tilespmem:$0x8100] =	vst v63  }
0x86: {  	_ = 	snop  }
0x87: {  	[hbm4b:s7+s2] =	stream.indirect_vreg.scatter [tilespmem:s24], [sflag:$0x2], $0x80, v3, vm0, $0xb8;
	[tilespmem:$0x8100] =	vst v63  }
0x88: {  	v3 =	vld [tilespmem:$0xB0];
	_ =	sdelay $0x4  }
0x89: {  	v63 =	vshll.u32 v3, $0x2  }
0x8a: {  	v3 =	vand.u32 $0x7, v3;
	v4 =	vand.u32 $0xFFFFFFE0, v63  }
0x8b: {  	v3 =	vor.u32 v3, v4  }
0x8c: {  	v4 =	vperm.xlane v3, v0;
	_ =	sdelay $0x1  }
0x8d: {  	v4 =	vadd.s32 v1, v4;
	_ =	sdelay $0x1  }
0x8e: {  	v3 =	vperm.xlane v3, v2;
	_ =	sdelay $0x1  }
0x8f: {  	v3 =	vadd.s32 v1, v3  }
0x90: {  	[hbm4b:s3+s2] =	stream.indirect_vreg.scatter [tilespmem:s25], [sflag:$0x2], $0x80, v4, vm0, $0xb8;
	[tilespmem:$0x8100] =	vst v63  }
0x91: {  	_ = 	snop  }
0x92: {  	[hbm4b:s7+s2] =	stream.indirect_vreg.scatter [tilespmem:s26], [sflag:$0x2], $0x80, v4, vm0, $0xb8;
	[tilespmem:$0x8100] =	vst v63  }
0x93: {  	_ = 	snop  }
0x94: {  	[hbm4b:s3+s2] =	stream.indirect_vreg.scatter [tilespmem:s28], [sflag:$0x2], $0x80, v3, vm0, $0xb8;
	[tilespmem:$0x8100] =	vst v63  }
0x95: {  	_ = 	snop  }
0x96: {  	[hbm4b:s7+s2] =	stream.indirect_vreg.scatter [tilespmem:s29], [sflag:$0x2], $0x80, v3, vm0, $0xb8;
	[tilespmem:$0x8100] =	vst v63  }
0x97: {  	p0 =	sne.s32 s8, $0x1;
	_ =	swait.ge [sflag:s11], $0x8000  }
.Ltmp0:
0x98: {  	[sflag:s11] =	ssyncset.done $0x0;
	(pc) =	sbr.rel @p0 .LBB2_1-.Ltmp0, $4  }
0x99: {  	[sflag:s11] =	ssyncadd.s32 $0xFFFF8000  }
0x9a: {  	_ =	swait.ge [sflag:s12], $0x8000  }
0x9b: {  	[sflag:s12] =	ssyncset.done $0x0  }
0x9c: {  	s8 =	sadd.s32 $0xFFFFFFFF, s8;
	[sflag:s12] =	ssyncadd.s32 $0xFFFF8000  }
0x9d: {  	_ =	sfence.sel $0x180000  }
0x9e: {  	[bflag:$0x0] =	sbarrier.arrive $0xFFFF  }
0x9f: {  	p0 =	sne.s32 s1, $0x0;
	_ =	strace $0x90000047  }
0xa0: {  	s0 =	sadd.s32 @!p0 $0x100000, s0;
	[bflag:$0x2] =	sbarrier.arrive $0xFFFF  }
0xa1: {  	[sflag:s0] =	ssyncadd.tile.s32 @!p0 $0x1;
	_ =	shalt  }
.Lfunc_end2:
_tile_overlayer_lowered:
.L_overlay_start_2:
0xa2: {  	(tag) =	ssettag $0x2  }
0xa3: {  	s0 =	rddreg [dreg:$0x0];
	s2 =	stileid.u32  }
0xa4: {  	s1 =	rddreg [dreg:$0x1];
	p0 =	sne.s32 s2, $0x0  }
0xa5: {  	s3 =	rddreg [dreg:$0x2];
	[bflag:$0x3] =	sbarrier.arrive $0xFFFF;
	s2 =	simm.s32 @!p0 $0x1C04  }
0xa6: {  	[timem:s3], [sflag:s2] =	dma.local @!p0 [hbm:s0], s1  }
0xa7: {  	s0 =	simm.s32 @!p0 $0x4  }
0xa8: {  	_ =	swait.ge @!p0 [sflag:s0], s1  }
0xa9: {  	s1 =	ssub.s32 @!p0 $0x0, s1;
	[sflag:s0] =	ssyncset.done @!p0 $0x0  }
0xaa: {  	[sflag:s0] =	ssyncadd.s32 @!p0 s1  }
0xab: {  	[bflag:$0x3] =	sbarrier.arrive $0xFFFF  }
0xac: {  	_ =	shalt  }

</sc_bundles>
